<compile_context>
chip_gen: v7x
topology: tpu7x:2x2x1
jax: 0.10.2.dev20260603
libtpu: 0.0.44.dev20260713+nightly
codegen_flags: <defaults>
</compile_context>

<pallas_src>
import functools

import jax
import jax.numpy as jnp
from jax import lax
from jax.experimental import pallas as pl
from jax.experimental.pallas import tpu as pltpu
from jax.experimental.pallas import tpu_sc as plsc

N_POINTS = 10000
N_NEIGH = 32
IN_FDIM = 128
OUT_FDIM = 128
NUM_KP = 15
KPAD = 16
RADIUS = 2.5
CFG_KP_EXTENT = 1.2
DENSITY = 5.0
EXTENT = CFG_KP_EXTENT * RADIUS / DENSITY

HIGH = None


_SC_CHUNK = 40
_NW = 32


def _sc_gather_body(idx_hbm, feat_hbm, spx_hbm, spy_hbm, spz_hbm,
                    fg_out, sx_out, sy_out, sz_out,
                    idx_v, fv0, fv1, spx_v, spy_v, spz_v,
                    sx0, sy0, sz0, sx1, sy1, sz1,
                    semg0, semg1, semw0, semw1):
    nc = 2
    wid = lax.axis_index("s") * nc + lax.axis_index("c")
    rows_per_w = (N_POINTS * N_NEIGH) // _NW
    npair = rows_per_w // (2 * _SC_CHUNK)

    pltpu.sync_copy(idx_hbm.at[pl.ds(wid * rows_per_w, rows_per_w)],
                    idx_v.at[pl.ds(0, rows_per_w)])
    pltpu.sync_copy(spx_hbm, spx_v)
    pltpu.sync_copy(spy_hbm, spy_v)
    pltpu.sync_copy(spz_hbm, spz_v)

    bufs = ((fv0, sx0, sy0, sz0, semg0, semw0),
            (fv1, sx1, sy1, sz1, semg1, semw1))

    def wait_writes(j, base, b):
        fv, sx, sy, sz, _, semw = bufs[b]
        @pl.when(j > 0)
        def _():
            pltpu.make_async_copy(fv, fg_out.at[pl.ds(base, _SC_CHUNK)],
                                  semw).wait()
            pltpu.make_async_copy(sx.at[pl.ds(0, _SC_CHUNK)],
                                  sx_out.at[pl.ds(base, _SC_CHUNK)],
                                  semw).wait()
            pltpu.make_async_copy(sy.at[pl.ds(0, _SC_CHUNK)],
                                  sy_out.at[pl.ds(base, _SC_CHUNK)],
                                  semw).wait()
            pltpu.make_async_copy(sz.at[pl.ds(0, _SC_CHUNK)],
                                  sz_out.at[pl.ds(base, _SC_CHUNK)],
                                  semw).wait()

    def body(j, carry):
        base0 = wid * rows_per_w + 2 * j * _SC_CHUNK
        base1 = base0 + _SC_CHUNK
        off0 = 2 * j * _SC_CHUNK
        off1 = off0 + _SC_CHUNK
        wait_writes(j, base0, 0)
        wait_writes(j, base1, 1)
        g0 = pltpu.async_copy(feat_hbm.at[idx_v.at[pl.ds(off0, _SC_CHUNK)]],
                              fv0, semg0)
        g1 = pltpu.async_copy(feat_hbm.at[idx_v.at[pl.ds(off1, _SC_CHUNK)]],
                              fv1, semg1)
        for (off, (fv, sx, sy, sz, semg, semw)) in ((off0, bufs[0]),
                                                    (off1, bufs[1])):
            for t in range((_SC_CHUNK + 15) // 16):
                iv = idx_v[pl.ds(off + t * 16, 16)]
                iv = jnp.minimum(iv, N_POINTS - 1)
                sx[pl.ds(t * 16, 16)] = plsc.load_gather(spx_v, [iv])
                sy[pl.ds(t * 16, 16)] = plsc.load_gather(spy_v, [iv])
                sz[pl.ds(t * 16, 16)] = plsc.load_gather(spz_v, [iv])
        g0.wait()
        pltpu.async_copy(fv0, fg_out.at[pl.ds(base0, _SC_CHUNK)], semw0)
        pltpu.async_copy(sx0.at[pl.ds(0, _SC_CHUNK)],
                         sx_out.at[pl.ds(base0, _SC_CHUNK)], semw0)
        pltpu.async_copy(sy0.at[pl.ds(0, _SC_CHUNK)],
                         sy_out.at[pl.ds(base0, _SC_CHUNK)], semw0)
        pltpu.async_copy(sz0.at[pl.ds(0, _SC_CHUNK)],
                         sz_out.at[pl.ds(base0, _SC_CHUNK)], semw0)
        g1.wait()
        pltpu.async_copy(fv1, fg_out.at[pl.ds(base1, _SC_CHUNK)], semw1)
        pltpu.async_copy(sx1.at[pl.ds(0, _SC_CHUNK)],
                         sx_out.at[pl.ds(base1, _SC_CHUNK)], semw1)
        pltpu.async_copy(sy1.at[pl.ds(0, _SC_CHUNK)],
                         sy_out.at[pl.ds(base1, _SC_CHUNK)], semw1)
        pltpu.async_copy(sz1.at[pl.ds(0, _SC_CHUNK)],
                         sz_out.at[pl.ds(base1, _SC_CHUNK)], semw1)
        return carry

    lax.fori_loop(0, npair, body, 0)
    tail0 = wid * rows_per_w
    wait_writes(jnp.int32(1), tail0, 0)
    wait_writes(jnp.int32(1), tail0 + _SC_CHUNK, 1)


def _sc_gather(idx_flat, features, spx, spy, spz):
    total = N_POINTS * N_NEIGH
    rows_per_w = total // _NW
    mesh = plsc.VectorSubcoreMesh(core_axis_name="c", subcore_axis_name="s")
    cb = 16 * ((_SC_CHUNK + 15) // 16)
    coordbuf = [pltpu.VMEM((cb,), jnp.float32) for _ in range(6)]
    fn = functools.partial(
        pl.kernel,
        out_type=[
            jax.ShapeDtypeStruct((total, IN_FDIM), jnp.float32),
            jax.ShapeDtypeStruct((total,), jnp.float32),
            jax.ShapeDtypeStruct((total,), jnp.float32),
            jax.ShapeDtypeStruct((total,), jnp.float32),
        ],
        mesh=mesh,
        scratch_types=[
            pltpu.VMEM((rows_per_w + 16,), jnp.int32),
            pltpu.VMEM((_SC_CHUNK, IN_FDIM), jnp.float32),
            pltpu.VMEM((_SC_CHUNK, IN_FDIM), jnp.float32),
            pltpu.VMEM((N_POINTS,), jnp.float32),
            pltpu.VMEM((N_POINTS,), jnp.float32),
            pltpu.VMEM((N_POINTS,), jnp.float32),
        ] + coordbuf + [
            pltpu.SemaphoreType.DMA,
            pltpu.SemaphoreType.DMA,
            pltpu.SemaphoreType.DMA,
            pltpu.SemaphoreType.DMA,
        ],
        compiler_params=pltpu.CompilerParams(needs_layout_passes=False),
    )(_sc_gather_body)
    return fn(idx_flat, features, spx, spy, spz)



_PB = 200


def _tc_main_body(fg_ref, sx_ref, sy_ref, sz_ref, q_ref, kps_ref, kpl_ref,
                  w_ref, ow_ref, ob_ref, x_ref, sums_ref):
    i = pl.program_id(0)
    fg = fg_ref[...]
    q = q_ref[...]
    kps = kps_ref[...]
    kpl = kpl_ref[...]

    relx = sx_ref[...] - q[:, 0:1]
    rely = sy_ref[...] - q[:, 1:2]
    relz = sz_ref[...] - q[:, 2:3]

    dx = relx[:, None, :] - kps[:, 0:1][None, :, :]
    dy = rely[:, None, :] - kps[:, 1:2][None, :, :]
    dz = relz[:, None, :] - kps[:, 2:3][None, :, :]
    d2 = dx * dx + dy * dy + dz * dz
    kmask = lax.broadcasted_iota(jnp.int32, (1, KPAD, 1), 1) < NUM_KP
    w1 = jnp.where(kmask, jnp.maximum(1.0 - jnp.sqrt(d2) / EXTENT, 0.0), 0.0)

    wf1 = lax.dot_general(w1, fg, (((2,), (1,)), ((0,), (0,))),
                          precision=HIGH)

    of = ob_ref[...] * jnp.ones((_PB, 1), jnp.float32)
    for k in range(NUM_KP):
        of = of + lax.dot_general(wf1[:, k, :], ow_ref[k],
                                  (((1,), (0,)), ((), ())), precision=HIGH)
    of = of * EXTENT
    dkx = kpl[0:1, :] + of[:, 0:16]
    dky = kpl[1:2, :] + of[:, 16:32]
    dkz = kpl[2:3, :] + of[:, 32:48]

    dx2 = relx[:, None, :] - dkx[:, :, None]
    dy2 = rely[:, None, :] - dky[:, :, None]
    dz2 = relz[:, None, :] - dkz[:, :, None]
    d2b = dx2 * dx2 + dy2 * dy2 + dz2 * dz2
    w2 = jnp.where(kmask, jnp.maximum(1.0 - jnp.sqrt(d2b) / EXTENT, 0.0), 0.0)

    wf2 = lax.dot_general(w2, fg, (((2,), (1,)), ((0,), (0,))),
                          precision=HIGH)
    x = jnp.zeros((_PB, OUT_FDIM), jnp.float32)
    for k in range(NUM_KP):
        x = x + lax.dot_general(wf2[:, k, :], w_ref[k],
                                (((1,), (0,)), ((), ())), precision=HIGH)

    x_ref[...] = x

    @pl.when(i == 0)
    def _():
        sums_ref[...] = jnp.zeros_like(sums_ref)

    sums_ref[0:1, :] = sums_ref[0:1, :] + jnp.sum(x, axis=0, keepdims=True)
    sums_ref[1:2, :] = sums_ref[1:2, :] + jnp.sum(x * x, axis=0, keepdims=True)


def _tc_main(fg3, sx2, sy2, sz2, q4, kp_s, kp_l, w_pad, ow_pad, ob_pad):
    nb = N_POINTS // _PB
    return pl.pallas_call(
        _tc_main_body,
        grid=(nb,),
        in_specs=[
            pl.BlockSpec((_PB, N_NEIGH, IN_FDIM), lambda i: (i, 0, 0)),
            pl.BlockSpec((_PB, N_NEIGH), lambda i: (i, 0)),
            pl.BlockSpec((_PB, N_NEIGH), lambda i: (i, 0)),
            pl.BlockSpec((_PB, N_NEIGH), lambda i: (i, 0)),
            pl.BlockSpec((_PB, 4), lambda i: (i, 0)),
            pl.BlockSpec((KPAD, 4), lambda i: (0, 0)),
            pl.BlockSpec((3, KPAD), lambda i: (0, 0)),
            pl.BlockSpec((KPAD, IN_FDIM, OUT_FDIM), lambda i: (0, 0, 0)),
            pl.BlockSpec((KPAD, IN_FDIM, 128), lambda i: (0, 0, 0)),
            pl.BlockSpec((1, 128), lambda i: (0, 0)),
        ],
        out_specs=[
            pl.BlockSpec((_PB, OUT_FDIM), lambda i: (i, 0)),
            pl.BlockSpec((8, 128), lambda i: (0, 0)),
        ],
        out_shape=[
            jax.ShapeDtypeStruct((N_POINTS, OUT_FDIM), jnp.float32),
            jax.ShapeDtypeStruct((8, 128), jnp.float32),
        ],
    )(fg3, sx2, sy2, sz2, q4, kp_s, kp_l, w_pad, ow_pad, ob_pad)



_PB2 = 1000


def _tc_bn_body(x_ref, sums_ref, g_ref, b_ref, o_ref):
    n = jnp.float32(N_POINTS)
    mean = sums_ref[0:1, :] / n
    var = sums_ref[1:2, :] / n - mean * mean
    x = x_ref[...]
    y = (x - mean) / jnp.sqrt(var + 1e-6) * g_ref[...] + b_ref[...]
    o_ref[...] = jnp.where(y >= 0.0, y, 0.1 * y)


def _tc_bn(x, sums, gamma2, beta2):
    nb = N_POINTS // _PB2
    return pl.pallas_call(
        _tc_bn_body,
        grid=(nb,),
        in_specs=[
            pl.BlockSpec((_PB2, OUT_FDIM), lambda i: (i, 0)),
            pl.BlockSpec((8, 128), lambda i: (0, 0)),
            pl.BlockSpec((1, OUT_FDIM), lambda i: (0, 0)),
            pl.BlockSpec((1, OUT_FDIM), lambda i: (0, 0)),
        ],
        out_specs=pl.BlockSpec((_PB2, OUT_FDIM), lambda i: (i, 0)),
        out_shape=jax.ShapeDtypeStruct((N_POINTS, OUT_FDIM), jnp.float32),
    )(x, sums, gamma2, beta2)



def kernel(query_points, support_points, features, weight, offset_weight,
           offset_bias, kernel_points, bn_gamma, bn_beta, neighbors_indices):
    idx_flat = neighbors_indices.reshape(-1).astype(jnp.int32)
    spx = support_points[:, 0]
    spy = support_points[:, 1]
    spz = support_points[:, 2]
    q4 = jnp.pad(query_points, ((0, 0), (0, 1)))
    kp_s = jnp.pad(kernel_points, ((0, KPAD - NUM_KP), (0, 1)))
    kp_l = jnp.pad(kernel_points, ((0, KPAD - NUM_KP), (0, 0))).T
    w_pad = jnp.pad(weight, ((0, KPAD - NUM_KP), (0, 0), (0, 0)))
    ow = offset_weight.reshape(NUM_KP, IN_FDIM, NUM_KP, 3)
    ow = jnp.transpose(ow, (0, 1, 3, 2))
    ow_pad = jnp.pad(ow, ((0, KPAD - NUM_KP), (0, 0), (0, 5),
                          (0, KPAD - NUM_KP)))
    ow_pad = ow_pad.reshape(KPAD, IN_FDIM, 128)
    ob = offset_bias.reshape(NUM_KP, 3).T
    ob_pad = jnp.pad(ob, ((0, 5), (0, KPAD - NUM_KP)))
    ob_pad = ob_pad.reshape(1, 128)
    gamma2 = bn_gamma.reshape(1, OUT_FDIM)
    beta2 = bn_beta.reshape(1, OUT_FDIM)

    fg, sx, sy, sz = _sc_gather(idx_flat, features, spx, spy, spz)
    fg3 = fg.reshape(N_POINTS, N_NEIGH, IN_FDIM)
    sx2 = sx.reshape(N_POINTS, N_NEIGH)
    sy2 = sy.reshape(N_POINTS, N_NEIGH)
    sz2 = sz.reshape(N_POINTS, N_NEIGH)

    x, sums = _tc_main(fg3, sx2, sy2, sz2, q4, kp_s, kp_l, w_pad, ow_pad,
                       ob_pad)
    return _tc_bn(x, sums, gamma2, beta2)

# --- scband reference (transcript-rebuilt; emitter-appended) ---
"""Pipeline reference for scband-simple-deformable-block-49435073577386 (READ-ONLY COPY).

The authoritative reference and input builder live on the scoring server;
editing this copy changes nothing except your own understanding.
"""

import jax, jax.numpy as jnp
import numpy as np

N_POINTS = 10000
N_NEIGH = 32
IN_FDIM = 128
OUT_FDIM = 128
NUM_KP = 15
POINT_DIM = 3
RADIUS = 2.5
CFG_KP_EXTENT = 1.2
DENSITY = 5.0
EXTENT = CFG_KP_EXTENT * RADIUS / DENSITY

def _make_kernel_points():
    rng = np.random.RandomState(42)
    kp = rng.normal(size=(NUM_KP, POINT_DIM))
    kp = kp / (np.linalg.norm(kp, axis=1, keepdims=True) + 1e-9)
    kp = kp * rng.uniform(0.3, 1.0, size=(NUM_KP, 1))
    kp[0, :] = 0.0
    return (kp * EXTENT).astype(np.float32)

def _trunc_normal(key, size):
    std = float(np.sqrt(2.0 / size[-1]))
    w = std * jax.random.normal(key, size, dtype=jnp.float32)
    return jnp.where(jnp.abs(w) > 2.0 * std, 0.0, w)

def setup_inputs(seed: int = 0):
    key = jax.random.key(seed)
    ks = jax.random.split(key, 8)
    query_points = jax.random.uniform(ks[0], (N_POINTS, POINT_DIM), dtype=jnp.float32)
    support_points = jax.random.uniform(ks[1], (N_POINTS, POINT_DIM), dtype=jnp.float32)
    neighbors_indices = jax.random.randint(ks[2], (N_POINTS, N_NEIGH), 0, N_POINTS, dtype=jnp.int32)
    features = jax.random.normal(ks[3], (N_POINTS, IN_FDIM), dtype=jnp.float32)
    weight = _trunc_normal(ks[4], (NUM_KP, IN_FDIM, OUT_FDIM))
    offset_dim = POINT_DIM * NUM_KP
    offset_weight = _trunc_normal(ks[5], (NUM_KP, IN_FDIM, offset_dim))
    offset_bias = jnp.zeros((offset_dim,), dtype=jnp.float32)
    kernel_points = jnp.asarray(_make_kernel_points())
    bn_gamma = jnp.ones((OUT_FDIM,), dtype=jnp.float32)
    bn_beta = jnp.zeros((OUT_FDIM,), dtype=jnp.float32)
    return {'query_points': query_points, 'support_points': support_points, 'features': features, 'weight': weight, 'offset_weight': offset_weight, 'offset_bias': offset_bias, 'kernel_points': kernel_points, 'bn_gamma': bn_gamma, 'bn_beta': bn_beta, 'neighbors_indices': neighbors_indices}

def _kpconv_rigid(query_points, support_points, neighbors_indices, features, K_points, K_values):
    neighbors = support_points[neighbors_indices] - query_points[:, None, :]
    differences = neighbors[:, :, None, :] - K_points[None, None, :, :]
    sq_distances = jnp.sum(differences * differences, axis=-1)
    all_weights = jnp.maximum(1.0 - jnp.sqrt(sq_distances) / EXTENT, 0.0)
    all_weights = jnp.transpose(all_weights, (0, 2, 1))
    neighb_feats = features[neighbors_indices]
    weighted_features = jnp.matmul(all_weights, neighb_feats)
    return jnp.einsum('nkc,kcd->nd', weighted_features, K_values)

def _kpconv_deform(query_points, support_points, neighbors_indices, features, K_points, K_values, offsets):
    deformed_K = K_points[None, :, :] + offsets
    neighbors = support_points[neighbors_indices] - query_points[:, None, :]
    differences = neighbors[:, :, None, :] - deformed_K[:, None, :, :]
    sq_distances = jnp.sum(differences * differences, axis=-1)
    all_weights = jnp.maximum(1.0 - jnp.sqrt(sq_distances) / EXTENT, 0.0)
    all_weights = jnp.transpose(all_weights, (0, 2, 1))
    neighb_feats = features[neighbors_indices]
    weighted_features = jnp.matmul(all_weights, neighb_feats)
    return jnp.einsum('nkc,kcd->nd', weighted_features, K_values)

def reference(query_points, support_points, features, weight, offset_weight, offset_bias, kernel_points, bn_gamma, bn_beta, neighbors_indices):
    offset_feat = _kpconv_rigid(query_points, support_points, neighbors_indices, features, kernel_points, offset_weight) + offset_bias
    offsets = offset_feat.reshape(-1, NUM_KP, POINT_DIM) * EXTENT
    x = _kpconv_deform(query_points, support_points, neighbors_indices, features, kernel_points, weight, offsets)
    mean = jnp.mean(x, axis=0)
    var = jnp.var(x, axis=0)
    x = (x - mean) / jnp.sqrt(var + 1e-06) * bn_gamma + bn_beta
    return jnp.where(x >= 0.0, x, 0.1 * x)

if __name__ == "__main__":
    import jax
    _d = setup_inputs()
    print(jax.jit(kernel)(*tuple(_d.values())))

</pallas_src>

<mosaic_0001>
#map = affine_map<(d0, d1) -> (0)>
#map1 = affine_map<(d0, d1) -> (0, 0)>
module attributes {stable_mosaic.version = 14 : i64} {
  func.func @_sc_gather_body(%arg0: i32, %arg1: i32, %arg2: memref<320000xi32, #tpu.memory_space<hbm>>, %arg3: memref<10000x128xf32, #tpu.memory_space<hbm>>, %arg4: memref<10000xf32, #tpu.memory_space<hbm>>, %arg5: memref<10000xf32, #tpu.memory_space<hbm>>, %arg6: memref<10000xf32, #tpu.memory_space<hbm>>, %arg7: memref<320000x128xf32, #tpu.memory_space<hbm>>, %arg8: memref<320000xf32, #tpu.memory_space<hbm>>, %arg9: memref<320000xf32, #tpu.memory_space<hbm>>, %arg10: memref<320000xf32, #tpu.memory_space<hbm>>, %arg11: memref<10016xi32, #tpu.memory_space<vmem>>, %arg12: memref<40x128xf32, #tpu.memory_space<vmem>>, %arg13: memref<40x128xf32, #tpu.memory_space<vmem>>, %arg14: memref<10000xf32, #tpu.memory_space<vmem>>, %arg15: memref<10000xf32, #tpu.memory_space<vmem>>, %arg16: memref<10000xf32, #tpu.memory_space<vmem>>, %arg17: memref<48xf32, #tpu.memory_space<vmem>>, %arg18: memref<48xf32, #tpu.memory_space<vmem>>, %arg19: memref<48xf32, #tpu.memory_space<vmem>>, %arg20: memref<48xf32, #tpu.memory_space<vmem>>, %arg21: memref<48xf32, #tpu.memory_space<vmem>>, %arg22: memref<48xf32, #tpu.memory_space<vmem>>, %arg23: memref<!tpu.dma_semaphore, #tpu.memory_space<semaphore_mem>>, %arg24: memref<!tpu.dma_semaphore, #tpu.memory_space<semaphore_mem>>, %arg25: memref<!tpu.dma_semaphore, #tpu.memory_space<semaphore_mem>>, %arg26: memref<!tpu.dma_semaphore, #tpu.memory_space<semaphore_mem>>) attributes {dimension_semantics = [#tpu.dimension_semantics<core_parallel>, #tpu.dimension_semantics<subcore_parallel>], iteration_bounds = array<i64: 2, 16>, scalar_prefetch = 0 : i64, scratch_operands = 16 : i64, tpu.core_type = #tpu.core_type<sc_vector_subcore>, window_params = [{transform_indices = #map}, {transform_indices = #map1}, {transform_indices = #map}, {transform_indices = #map}, {transform_indices = #map}, {transform_indices = #map1}, {transform_indices = #map}, {transform_indices = #map}, {transform_indices = #map}]} {
    %mul3A = arith.constant 2 : i32
    %mul3A_0 = arith.muli %arg1, %mul3A : i32
    %add3A = arith.addi %mul3A_0, %arg0 : i32
    %mul3A_1 = arith.constant 10000 : i32
    %mul3A_2 = arith.muli %add3A, %mul3A_1 : i32
    "tpu.region"() ({
      %run_scoped3A = tpu.sem_alloc : memref<!tpu.dma_semaphore, #tpu.memory_space<semaphore_mem>>
      %dma_start3A = arith.constant 0 : i32
      %dma_start3A_21 = tpu.memref_slice %arg11[%dma_start3A] : memref<10016xi32, #tpu.memory_space<vmem>> -> memref<10000xi32, #tpu.memory_space<vmem>>
      %dma_start3A_22 = tpu.memref_slice %arg2[%mul3A_2] : memref<320000xi32, #tpu.memory_space<hbm>> -> memref<10000xi32, #tpu.memory_space<hbm>>
      %dma_start3A_23 = arith.constant 0 : i32
      %dma_start3A_24 = tpu.memref_slice %arg11[%dma_start3A_23] : memref<10016xi32, #tpu.memory_space<vmem>> -> memref<10000xi32, #tpu.memory_space<vmem>>
      %dma_start3A_25 = tpu.memref_slice %arg2[%mul3A_2] : memref<320000xi32, #tpu.memory_space<hbm>> -> memref<10000xi32, #tpu.memory_space<hbm>>
      tpu.enqueue_dma source(%dma_start3A_25 : memref<10000xi32, #tpu.memory_space<hbm>>) target(%dma_start3A_24 : memref<10000xi32, #tpu.memory_space<vmem>>) target_semaphore(%run_scoped3A : memref<!tpu.dma_semaphore, #tpu.memory_space<semaphore_mem>>)
      %dma_wait3A = arith.constant 0 : i32
      %dma_wait3A_26 = tpu.memref_slice %arg11[%dma_wait3A] : memref<10016xi32, #tpu.memory_space<vmem>> -> memref<10000xi32, #tpu.memory_space<vmem>>
      %dma_wait3A_27 = tpu.memref_slice %arg2[%mul3A_2] : memref<320000xi32, #tpu.memory_space<hbm>> -> memref<10000xi32, #tpu.memory_space<hbm>>
      %dma_wait3A_28 = arith.constant 0 : i32
      %dma_wait3A_29 = tpu.memref_slice %arg11[%dma_wait3A_28] : memref<10016xi32, #tpu.memory_space<vmem>> -> memref<10000xi32, #tpu.memory_space<vmem>>
      %dma_wait3A_30 = tpu.memref_slice %arg2[%mul3A_2] : memref<320000xi32, #tpu.memory_space<hbm>> -> memref<10000xi32, #tpu.memory_space<hbm>>
      tpu.wait_dma2 semaphore(%run_scoped3A : memref<!tpu.dma_semaphore, #tpu.memory_space<semaphore_mem>>) src(%dma_wait3A_30 : memref<10000xi32, #tpu.memory_space<hbm>>) dst(%dma_wait3A_29 : memref<10000xi32, #tpu.memory_space<vmem>>)
      tpu.yield
    }) : () -> ()
    "tpu.region"() ({
      %run_scoped3A = tpu.sem_alloc : memref<!tpu.dma_semaphore, #tpu.memory_space<semaphore_mem>>
      tpu.enqueue_dma source(%arg4 : memref<10000xf32, #tpu.memory_space<hbm>>) target(%arg14 : memref<10000xf32, #tpu.memory_space<vmem>>) target_semaphore(%run_scoped3A : memref<!tpu.dma_semaphore, #tpu.memory_space<semaphore_mem>>)
      tpu.wait_dma2 semaphore(%run_scoped3A : memref<!tpu.dma_semaphore, #tpu.memory_space<semaphore_mem>>) src(%arg4 : memref<10000xf32, #tpu.memory_space<hbm>>) dst(%arg14 : memref<10000xf32, #tpu.memory_space<vmem>>)
      tpu.yield
    }) : () -> ()
    "tpu.region"() ({
      %run_scoped3A = tpu.sem_alloc : memref<!tpu.dma_semaphore, #tpu.memory_space<semaphore_mem>>
      tpu.enqueue_dma source(%arg5 : memref<10000xf32, #tpu.memory_space<hbm>>) target(%arg15 : memref<10000xf32, #tpu.memory_space<vmem>>) target_semaphore(%run_scoped3A : memref<!tpu.dma_semaphore, #tpu.memory_space<semaphore_mem>>)
      tpu.wait_dma2 semaphore(%run_scoped3A : memref<!tpu.dma_semaphore, #tpu.memory_space<semaphore_mem>>) src(%arg5 : memref<10000xf32, #tpu.memory_space<hbm>>) dst(%arg15 : memref<10000xf32, #tpu.memory_space<vmem>>)
      tpu.yield
    }) : () -> ()
    "tpu.region"() ({
      %run_scoped3A = tpu.sem_alloc : memref<!tpu.dma_semaphore, #tpu.memory_space<semaphore_mem>>
      tpu.enqueue_dma source(%arg6 : memref<10000xf32, #tpu.memory_space<hbm>>) target(%arg16 : memref<10000xf32, #tpu.memory_space<vmem>>) target_semaphore(%run_scoped3A : memref<!tpu.dma_semaphore, #tpu.memory_space<semaphore_mem>>)
      tpu.wait_dma2 semaphore(%run_scoped3A : memref<!tpu.dma_semaphore, #tpu.memory_space<semaphore_mem>>) src(%arg6 : memref<10000xf32, #tpu.memory_space<hbm>>) dst(%arg16 : memref<10000xf32, #tpu.memory_space<vmem>>)
      tpu.yield
    }) : () -> ()
    %scan3A = arith.constant 0 : i32
    %scan3A_3 = arith.constant 0 : i32
    %scan3A_4 = arith.constant 125 : i32
    %scan3A_5 = arith.addi %scan3A_3, %scan3A_4 : i32
    %scan3A_6 = arith.constant 1 : i32
    scf.for %scan3A_21 = %scan3A_3 to %scan3A_5 step %scan3A_6  : i32 {
      %mul3A_22 = arith.constant 10000 : i32
      %mul3A_23 = arith.muli %add3A, %mul3A_22 : i32
      %mul3A_24 = arith.constant 2 : i32
      %mul3A_25 = arith.muli %mul3A_24, %scan3A_21 : i32
      %mul3A_26 = arith.constant 40 : i32
      %mul3A_27 = arith.muli %mul3A_25, %mul3A_26 : i32
      %add3A_28 = arith.addi %mul3A_23, %mul3A_27 : i32
      %add3A_29 = arith.constant 40 : i32
      %add3A_30 = arith.addi %add3A_28, %add3A_29 : i32
      %mul3A_31 = arith.constant 2 : i32
      %mul3A_32 = arith.muli %mul3A_31, %scan3A_21 : i32
      %mul3A_33 = arith.constant 40 : i32
      %mul3A_34 = arith.muli %mul3A_32, %mul3A_33 : i32
      %add3A_35 = arith.constant 40 : i32
      %add3A_36 = arith.addi %mul3A_34, %add3A_35 : i32
      %gt3A_37 = arith.constant 0 : i32
      %gt3A_38 = arith.cmpi sgt, %scan3A_21, %gt3A_37 : i32
      %convert_element_type3A_39 = arith.extui %gt3A_38 : i1 to i32
      %cond3A_40 = arith.constant 0 : i32
      %cond3A_41 = arith.cmpi ne, %convert_element_type3A_39, %cond3A_40 : i32
      scf.if %cond3A_41 {
        %dma_wait3A_197 = arith.constant 0 : i32
        %dma_wait3A_198 = tpu.memref_slice %arg7[%add3A_28, %dma_wait3A_197] : memref<320000x128xf32, #tpu.memory_space<hbm>> -> memref<40x128xf32, #tpu.memory_space<hbm>>
        %dma_wait3A_199 = arith.constant 0 : i32
        %dma_wait3A_200 = tpu.memref_slice %arg7[%add3A_28, %dma_wait3A_199] : memref<320000x128xf32, #tpu.memory_space<hbm>> -> memref<40x128xf32, #tpu.memory_space<hbm>>
        tpu.wait_dma2 semaphore(%arg25 : memref<!tpu.dma_semaphore, #tpu.memory_space<semaphore_mem>>) src(%arg12 : memref<40x128xf32, #tpu.memory_space<vmem>>) dst(%dma_wait3A_200 : memref<40x128xf32, #tpu.memory_space<hbm>>)
        %dma_wait3A_201 = arith.constant 0 : i32
        %dma_wait3A_202 = tpu.memref_slice %arg17[%dma_wait3A_201] : memref<48xf32, #tpu.memory_space<vmem>> -> memref<40xf32, #tpu.memory_space<vmem>>
        %dma_wait3A_203 = tpu.memref_slice %arg8[%add3A_28] : memref<320000xf32, #tpu.memory_space<hbm>> -> memref<40xf32, #tpu.memory_space<hbm>>
        %dma_wait3A_204 = tpu.memref_slice %arg8[%add3A_28] : memref<320000xf32, #tpu.memory_space<hbm>> -> memref<40xf32, #tpu.memory_space<hbm>>
        %dma_wait3A_205 = arith.constant 0 : i32
        %dma_wait3A_206 = tpu.memref_slice %arg17[%dma_wait3A_205] : memref<48xf32, #tpu.memory_space<vmem>> -> memref<40xf32, #tpu.memory_space<vmem>>
        tpu.wait_dma2 semaphore(%arg25 : memref<!tpu.dma_semaphore, #tpu.memory_space<semaphore_mem>>) src(%dma_wait3A_206 : memref<40xf32, #tpu.memory_space<vmem>>) dst(%dma_wait3A_204 : memref<40xf32, #tpu.memory_space<hbm>>)
        %dma_wait3A_207 = arith.constant 0 : i32
        %dma_wait3A_208 = tpu.memref_slice %arg18[%dma_wait3A_207] : memref<48xf32, #tpu.memory_space<vmem>> -> memref<40xf32, #tpu.memory_space<vmem>>
        %dma_wait3A_209 = tpu.memref_slice %arg9[%add3A_28] : memref<320000xf32, #tpu.memory_space<hbm>> -> memref<40xf32, #tpu.memory_space<hbm>>
        %dma_wait3A_210 = tpu.memref_slice %arg9[%add3A_28] : memref<320000xf32, #tpu.memory_space<hbm>> -> memref<40xf32, #tpu.memory_space<hbm>>
        %dma_wait3A_211 = arith.constant 0 : i32
        %dma_wait3A_212 = tpu.memref_slice %arg18[%dma_wait3A_211] : memref<48xf32, #tpu.memory_space<vmem>> -> memref<40xf32, #tpu.memory_space<vmem>>
        tpu.wait_dma2 semaphore(%arg25 : memref<!tpu.dma_semaphore, #tpu.memory_space<semaphore_mem>>) src(%dma_wait3A_212 : memref<40xf32, #tpu.memory_space<vmem>>) dst(%dma_wait3A_210 : memref<40xf32, #tpu.memory_space<hbm>>)
        %dma_wait3A_213 = arith.constant 0 : i32
        %dma_wait3A_214 = tpu.memref_slice %arg19[%dma_wait3A_213] : memref<48xf32, #tpu.memory_space<vmem>> -> memref<40xf32, #tpu.memory_space<vmem>>
        %dma_wait3A_215 = tpu.memref_slice %arg10[%add3A_28] : memref<320000xf32, #tpu.memory_space<hbm>> -> memref<40xf32, #tpu.memory_space<hbm>>
        %dma_wait3A_216 = tpu.memref_slice %arg10[%add3A_28] : memref<320000xf32, #tpu.memory_space<hbm>> -> memref<40xf32, #tpu.memory_space<hbm>>
        %dma_wait3A_217 = arith.constant 0 : i32
        %dma_wait3A_218 = tpu.memref_slice %arg19[%dma_wait3A_217] : memref<48xf32, #tpu.memory_space<vmem>> -> memref<40xf32, #tpu.memory_space<vmem>>
        tpu.wait_dma2 semaphore(%arg25 : memref<!tpu.dma_semaphore, #tpu.memory_space<semaphore_mem>>) src(%dma_wait3A_218 : memref<40xf32, #tpu.memory_space<vmem>>) dst(%dma_wait3A_216 : memref<40xf32, #tpu.memory_space<hbm>>)
      } else {
      }
      %gt3A_42 = arith.constant 0 : i32
      %gt3A_43 = arith.cmpi sgt, %scan3A_21, %gt3A_42 : i32
      %convert_element_type3A_44 = arith.extui %gt3A_43 : i1 to i32
      %cond3A_45 = arith.constant 0 : i32
      %cond3A_46 = arith.cmpi ne, %convert_element_type3A_44, %cond3A_45 : i32
      scf.if %cond3A_46 {
        %dma_wait3A_197 = arith.constant 0 : i32
        %dma_wait3A_198 = tpu.memref_slice %arg7[%add3A_30, %dma_wait3A_197] : memref<320000x128xf32, #tpu.memory_space<hbm>> -> memref<40x128xf32, #tpu.memory_space<hbm>>
        %dma_wait3A_199 = arith.constant 0 : i32
        %dma_wait3A_200 = tpu.memref_slice %arg7[%add3A_30, %dma_wait3A_199] : memref<320000x128xf32, #tpu.memory_space<hbm>> -> memref<40x128xf32, #tpu.memory_space<hbm>>
        tpu.wait_dma2 semaphore(%arg26 : memref<!tpu.dma_semaphore, #tpu.memory_space<semaphore_mem>>) src(%arg13 : memref<40x128xf32, #tpu.memory_space<vmem>>) dst(%dma_wait3A_200 : memref<40x128xf32, #tpu.memory_space<hbm>>)
        %dma_wait3A_201 = arith.constant 0 : i32
        %dma_wait3A_202 = tpu.memref_slice %arg20[%dma_wait3A_201] : memref<48xf32, #tpu.memory_space<vmem>> -> memref<40xf32, #tpu.memory_space<vmem>>
        %dma_wait3A_203 = tpu.memref_slice %arg8[%add3A_30] : memref<320000xf32, #tpu.memory_space<hbm>> -> memref<40xf32, #tpu.memory_space<hbm>>
        %dma_wait3A_204 = tpu.memref_slice %arg8[%add3A_30] : memref<320000xf32, #tpu.memory_space<hbm>> -> memref<40xf32, #tpu.memory_space<hbm>>
        %dma_wait3A_205 = arith.constant 0 : i32
        %dma_wait3A_206 = tpu.memref_slice %arg20[%dma_wait3A_205] : memref<48xf32, #tpu.memory_space<vmem>> -> memref<40xf32, #tpu.memory_space<vmem>>
        tpu.wait_dma2 semaphore(%arg26 : memref<!tpu.dma_semaphore, #tpu.memory_space<semaphore_mem>>) src(%dma_wait3A_206 : memref<40xf32, #tpu.memory_space<vmem>>) dst(%dma_wait3A_204 : memref<40xf32, #tpu.memory_space<hbm>>)
        %dma_wait3A_207 = arith.constant 0 : i32
        %dma_wait3A_208 = tpu.memref_slice %arg21[%dma_wait3A_207] : memref<48xf32, #tpu.memory_space<vmem>> -> memref<40xf32, #tpu.memory_space<vmem>>
        %dma_wait3A_209 = tpu.memref_slice %arg9[%add3A_30] : memref<320000xf32, #tpu.memory_space<hbm>> -> memref<40xf32, #tpu.memory_space<hbm>>
        %dma_wait3A_210 = tpu.memref_slice %arg9[%add3A_30] : memref<320000xf32, #tpu.memory_space<hbm>> -> memref<40xf32, #tpu.memory_space<hbm>>
        %dma_wait3A_211 = arith.constant 0 : i32
        %dma_wait3A_212 = tpu.memref_slice %arg21[%dma_wait3A_211] : memref<48xf32, #tpu.memory_space<vmem>> -> memref<40xf32, #tpu.memory_space<vmem>>
        tpu.wait_dma2 semaphore(%arg26 : memref<!tpu.dma_semaphore, #tpu.memory_space<semaphore_mem>>) src(%dma_wait3A_212 : memref<40xf32, #tpu.memory_space<vmem>>) dst(%dma_wait3A_210 : memref<40xf32, #tpu.memory_space<hbm>>)
        %dma_wait3A_213 = arith.constant 0 : i32
        %dma_wait3A_214 = tpu.memref_slice %arg22[%dma_wait3A_213] : memref<48xf32, #tpu.memory_space<vmem>> -> memref<40xf32, #tpu.memory_space<vmem>>
        %dma_wait3A_215 = tpu.memref_slice %arg10[%add3A_30] : memref<320000xf32, #tpu.memory_space<hbm>> -> memref<40xf32, #tpu.memory_space<hbm>>
        %dma_wait3A_216 = tpu.memref_slice %arg10[%add3A_30] : memref<320000xf32, #tpu.memory_space<hbm>> -> memref<40xf32, #tpu.memory_space<hbm>>
        %dma_wait3A_217 = arith.constant 0 : i32
        %dma_wait3A_218 = tpu.memref_slice %arg22[%dma_wait3A_217] : memref<48xf32, #tpu.memory_space<vmem>> -> memref<40xf32, #tpu.memory_space<vmem>>
        tpu.wait_dma2 semaphore(%arg26 : memref<!tpu.dma_semaphore, #tpu.memory_space<semaphore_mem>>) src(%dma_wait3A_218 : memref<40xf32, #tpu.memory_space<vmem>>) dst(%dma_wait3A_216 : memref<40xf32, #tpu.memory_space<hbm>>)
      } else {
      }
      %dma_start3A = tpu.memref_slice %arg11[%mul3A_34] : memref<10016xi32, #tpu.memory_space<vmem>> -> memref<40xi32, #tpu.memory_space<vmem>>
      %dma_start3A_47 = arith.constant 0 : i32
      %dma_start3A_48 = arith.constant 0 : i32
      %dma_start3A_49 = tpu.memref_slice %arg3[%dma_start3A_47, %dma_start3A_48] : memref<10000x128xf32, #tpu.memory_space<hbm>> -> memref<10000x128xf32, #tpu.memory_space<hbm>>
      tpu.enqueue_indirect_dma source(%dma_start3A_49 : memref<10000x128xf32, #tpu.memory_space<hbm>>) target(%arg12 : memref<40x128xf32, #tpu.memory_space<vmem>>) offsets(%dma_start3A : memref<40xi32, #tpu.memory_space<vmem>>) semaphore(%arg23 : memref<!tpu.dma_semaphore, #tpu.memory_space<semaphore_mem>>)
      %dma_start3A_50 = tpu.memref_slice %arg11[%add3A_36] : memref<10016xi32, #tpu.memory_space<vmem>> -> memref<40xi32, #tpu.memory_space<vmem>>
      %dma_start3A_51 = arith.constant 0 : i32
      %dma_start3A_52 = arith.constant 0 : i32
      %dma_start3A_53 = tpu.memref_slice %arg3[%dma_start3A_51, %dma_start3A_52] : memref<10000x128xf32, #tpu.memory_space<hbm>> -> memref<10000x128xf32, #tpu.memory_space<hbm>>
      tpu.enqueue_indirect_dma source(%dma_start3A_53 : memref<10000x128xf32, #tpu.memory_space<hbm>>) target(%arg13 : memref<40x128xf32, #tpu.memory_space<vmem>>) offsets(%dma_start3A_50 : memref<40xi32, #tpu.memory_space<vmem>>) semaphore(%arg24 : memref<!tpu.dma_semaphore, #tpu.memory_space<semaphore_mem>>)
      %add3A_54 = arith.constant 0 : i32
      %add3A_55 = arith.addi %mul3A_34, %add3A_54 : i32
      %get3A = arith.index_cast %add3A_55 : i32 to index
      %get3A_56 = tpu.vector_load %arg11[%get3A] {strides = array<i32>} : memref<10016xi32, #tpu.memory_space<vmem>>, vector<16xi32>,
      %min3A = arith.constant 9999 : i32
      %min3A_57 = vector.broadcast %min3A : i32 to vector<16xi32>
      %min3A_58 = arith.minsi %get3A_56, %min3A_57 : vector<16xi32>
      %gather3A = tpu.vector_load_idx %arg14[%min3A_58] : memref<10000xf32, #tpu.memory_space<vmem>>[vector<16xi32>], vector<16xf32>,
      %swap3A = arith.constant 0 : index
      %swap3A_59 = tpu.vector_load %arg17[%swap3A] {strides = array<i32>} : memref<48xf32, #tpu.memory_space<vmem>>, vector<16xf32>,
      tpu.vector_store %arg17[%swap3A], %gather3A {strides = array<i32>} : memref<48xf32, #tpu.memory_space<vmem>>, vector<16xf32>,
      %gather3A_60 = tpu.vector_load_idx %arg15[%min3A_58] : memref<10000xf32, #tpu.memory_space<vmem>>[vector<16xi32>], vector<16xf32>,
      %swap3A_61 = arith.constant 0 : index
      %swap3A_62 = tpu.vector_load %arg18[%swap3A_61] {strides = array<i32>} : memref<48xf32, #tpu.memory_space<vmem>>, vector<16xf32>,
      tpu.vector_store %arg18[%swap3A_61], %gather3A_60 {strides = array<i32>} : memref<48xf32, #tpu.memory_space<vmem>>, vector<16xf32>,
      %gather3A_63 = tpu.vector_load_idx %arg16[%min3A_58] : memref<10000xf32, #tpu.memory_space<vmem>>[vector<16xi32>], vector<16xf32>,
      %swap3A_64 = arith.constant 0 : index
      %swap3A_65 = tpu.vector_load %arg19[%swap3A_64] {strides = array<i32>} : memref<48xf32, #tpu.memory_space<vmem>>, vector<16xf32>,
      tpu.vector_store %arg19[%swap3A_64], %gather3A_63 {strides = array<i32>} : memref<48xf32, #tpu.memory_space<vmem>>, vector<16xf32>,
      %add3A_66 = arith.constant 16 : i32
      %add3A_67 = arith.addi %mul3A_34, %add3A_66 : i32
      %get3A_68 = arith.index_cast %add3A_67 : i32 to index
      %get3A_69 = tpu.vector_load %arg11[%get3A_68] {strides = array<i32>} : memref<10016xi32, #tpu.memory_space<vmem>>, vector<16xi32>,
      %min3A_70 = arith.constant 9999 : i32
      %min3A_71 = vector.broadcast %min3A_70 : i32 to vector<16xi32>
      %min3A_72 = arith.minsi %get3A_69, %min3A_71 : vector<16xi32>
      %gather3A_73 = tpu.vector_load_idx %arg14[%min3A_72] : memref<10000xf32, #tpu.memory_space<vmem>>[vector<16xi32>], vector<16xf32>,
      %swap3A_74 = arith.constant 16 : index
      %swap3A_75 = tpu.vector_load %arg17[%swap3A_74] {strides = array<i32>} : memref<48xf32, #tpu.memory_space<vmem>>, vector<16xf32>,
      tpu.vector_store %arg17[%swap3A_74], %gather3A_73 {strides = array<i32>} : memref<48xf32, #tpu.memory_space<vmem>>, vector<16xf32>,
      %gather3A_76 = tpu.vector_load_idx %arg15[%min3A_72] : memref<10000xf32, #tpu.memory_space<vmem>>[vector<16xi32>], vector<16xf32>,
      %swap3A_77 = arith.constant 16 : index
      %swap3A_78 = tpu.vector_load %arg18[%swap3A_77] {strides = array<i32>} : memref<48xf32, #tpu.memory_space<vmem>>, vector<16xf32>,
      tpu.vector_store %arg18[%swap3A_77], %gather3A_76 {strides = array<i32>} : memref<48xf32, #tpu.memory_space<vmem>>, vector<16xf32>,
      %gather3A_79 = tpu.vector_load_idx %arg16[%min3A_72] : memref<10000xf32, #tpu.memory_space<vmem>>[vector<16xi32>], vector<16xf32>,
      %swap3A_80 = arith.constant 16 : index
      %swap3A_81 = tpu.vector_load %arg19[%swap3A_80] {strides = array<i32>} : memref<48xf32, #tpu.memory_space<vmem>>, vector<16xf32>,
      tpu.vector_store %arg19[%swap3A_80], %gather3A_79 {strides = array<i32>} : memref<48xf32, #tpu.memory_space<vmem>>, vector<16xf32>,
      %add3A_82 = arith.constant 32 : i32
      %add3A_83 = arith.addi %mul3A_34, %add3A_82 : i32
      %get3A_84 = arith.index_cast %add3A_83 : i32 to index
      %get3A_85 = tpu.vector_load %arg11[%get3A_84] {strides = array<i32>} : memref<10016xi32, #tpu.memory_space<vmem>>, vector<16xi32>,
      %min3A_86 = arith.constant 9999 : i32
      %min3A_87 = vector.broadcast %min3A_86 : i32 to vector<16xi32>
      %min3A_88 = arith.minsi %get3A_85, %min3A_87 : vector<16xi32>
      %gather3A_89 = tpu.vector_load_idx %arg14[%min3A_88] : memref<10000xf32, #tpu.memory_space<vmem>>[vector<16xi32>], vector<16xf32>,
      %swap3A_90 = arith.constant 32 : index
      %swap3A_91 = tpu.vector_load %arg17[%swap3A_90] {strides = array<i32>} : memref<48xf32, #tpu.memory_space<vmem>>, vector<16xf32>,
      tpu.vector_store %arg17[%swap3A_90], %gather3A_89 {strides = array<i32>} : memref<48xf32, #tpu.memory_space<vmem>>, vector<16xf32>,
      %gather3A_92 = tpu.vector_load_idx %arg15[%min3A_88] : memref<10000xf32, #tpu.memory_space<vmem>>[vector<16xi32>], vector<16xf32>,
      %swap3A_93 = arith.constant 32 : index
      %swap3A_94 = tpu.vector_load %arg18[%swap3A_93] {strides = array<i32>} : memref<48xf32, #tpu.memory_space<vmem>>, vector<16xf32>,
      tpu.vector_store %arg18[%swap3A_93], %gather3A_92 {strides = array<i32>} : memref<48xf32, #tpu.memory_space<vmem>>, vector<16xf32>,
      %gather3A_95 = tpu.vector_load_idx %arg16[%min3A_88] : memref<10000xf32, #tpu.memory_space<vmem>>[vector<16xi32>], vector<16xf32>,
      %swap3A_96 = arith.constant 32 : index
      %swap3A_97 = tpu.vector_load %arg19[%swap3A_96] {strides = array<i32>} : memref<48xf32, #tpu.memory_space<vmem>>, vector<16xf32>,
      tpu.vector_store %arg19[%swap3A_96], %gather3A_95 {strides = array<i32>} : memref<48xf32, #tpu.memory_space<vmem>>, vector<16xf32>,
      %add3A_98 = arith.constant 0 : i32
      %add3A_99 = arith.addi %add3A_36, %add3A_98 : i32
      %get3A_100 = arith.index_cast %add3A_99 : i32 to index
      %get3A_101 = tpu.vector_load %arg11[%get3A_100] {strides = array<i32>} : memref<10016xi32, #tpu.memory_space<vmem>>, vector<16xi32>,
      %min3A_102 = arith.constant 9999 : i32
      %min3A_103 = vector.broadcast %min3A_102 : i32 to vector<16xi32>
      %min3A_104 = arith.minsi %get3A_101, %min3A_103 : vector<16xi32>
      %gather3A_105 = tpu.vector_load_idx %arg14[%min3A_104] : memref<10000xf32, #tpu.memory_space<vmem>>[vector<16xi32>], vector<16xf32>,
      %swap3A_106 = arith.constant 0 : index
      %swap3A_107 = tpu.vector_load %arg20[%swap3A_106] {strides = array<i32>} : memref<48xf32, #tpu.memory_space<vmem>>, vector<16xf32>,
      tpu.vector_store %arg20[%swap3A_106], %gather3A_105 {strides = array<i32>} : memref<48xf32, #tpu.memory_space<vmem>>, vector<16xf32>,
      %gather3A_108 = tpu.vector_load_idx %arg15[%min3A_104] : memref<10000xf32, #tpu.memory_space<vmem>>[vector<16xi32>], vector<16xf32>,
      %swap3A_109 = arith.constant 0 : index
      %swap3A_110 = tpu.vector_load %arg21[%swap3A_109] {strides = array<i32>} : memref<48xf32, #tpu.memory_space<vmem>>, vector<16xf32>,
      tpu.vector_store %arg21[%swap3A_109], %gather3A_108 {strides = array<i32>} : memref<48xf32, #tpu.memory_space<vmem>>, vector<16xf32>,
      %gather3A_111 = tpu.vector_load_idx %arg16[%min3A_104] : memref<10000xf32, #tpu.memory_space<vmem>>[vector<16xi32>], vector<16xf32>,
      %swap3A_112 = arith.constant 0 : index
      %swap3A_113 = tpu.vector_load %arg22[%swap3A_112] {strides = array<i32>} : memref<48xf32, #tpu.memory_space<vmem>>, vector<16xf32>,
      tpu.vector_store %arg22[%swap3A_112], %gather3A_111 {strides = array<i32>} : memref<48xf32, #tpu.memory_space<vmem>>, vector<16xf32>,
      %add3A_114 = arith.constant 16 : i32
      %add3A_115 = arith.addi %add3A_36, %add3A_114 : i32
      %get3A_116 = arith.index_cast %add3A_115 : i32 to index
      %get3A_117 = tpu.vector_load %arg11[%get3A_116] {strides = array<i32>} : memref<10016xi32, #tpu.memory_space<vmem>>, vector<16xi32>,
      %min3A_118 = arith.constant 9999 : i32
      %min3A_119 = vector.broadcast %min3A_118 : i32 to vector<16xi32>
      %min3A_120 = arith.minsi %get3A_117, %min3A_119 : vector<16xi32>
      %gather3A_121 = tpu.vector_load_idx %arg14[%min3A_120] : memref<10000xf32, #tpu.memory_space<vmem>>[vector<16xi32>], vector<16xf32>,
      %swap3A_122 = arith.constant 16 : index
      %swap3A_123 = tpu.vector_load %arg20[%swap3A_122] {strides = array<i32>} : memref<48xf32, #tpu.memory_space<vmem>>, vector<16xf32>,
      tpu.vector_store %arg20[%swap3A_122], %gather3A_121 {strides = array<i32>} : memref<48xf32, #tpu.memory_space<vmem>>, vector<16xf32>,
      %gather3A_124 = tpu.vector_load_idx %arg15[%min3A_120] : memref<10000xf32, #tpu.memory_space<vmem>>[vector<16xi32>], vector<16xf32>,
      %swap3A_125 = arith.constant 16 : index
      %swap3A_126 = tpu.vector_load %arg21[%swap3A_125] {strides = array<i32>} : memref<48xf32, #tpu.memory_space<vmem>>, vector<16xf32>,
      tpu.vector_store %arg21[%swap3A_125], %gather3A_124 {strides = array<i32>} : memref<48xf32, #tpu.memory_space<vmem>>, vector<16xf32>,
      %gather3A_127 = tpu.vector_load_idx %arg16[%min3A_120] : memref<10000xf32, #tpu.memory_space<vmem>>[vector<16xi32>], vector<16xf32>,
      %swap3A_128 = arith.constant 16 : index
      %swap3A_129 = tpu.vector_load %arg22[%swap3A_128] {strides = array<i32>} : memref<48xf32, #tpu.memory_space<vmem>>, vector<16xf32>,
      tpu.vector_store %arg22[%swap3A_128], %gather3A_127 {strides = array<i32>} : memref<48xf32, #tpu.memory_space<vmem>>, vector<16xf32>,
      %add3A_130 = arith.constant 32 : i32
      %add3A_131 = arith.addi %add3A_36, %add3A_130 : i32
      %get3A_132 = arith.index_cast %add3A_131 : i32 to index
      %get3A_133 = tpu.vector_load %arg11[%get3A_132] {strides = array<i32>} : memref<10016xi32, #tpu.memory_space<vmem>>, vector<16xi32>,
      %min3A_134 = arith.constant 9999 : i32
      %min3A_135 = vector.broadcast %min3A_134 : i32 to vector<16xi32>
      %min3A_136 = arith.minsi %get3A_133, %min3A_135 : vector<16xi32>
      %gather3A_137 = tpu.vector_load_idx %arg14[%min3A_136] : memref<10000xf32, #tpu.memory_space<vmem>>[vector<16xi32>], vector<16xf32>,
      %swap3A_138 = arith.constant 32 : index
      %swap3A_139 = tpu.vector_load %arg20[%swap3A_138] {strides = array<i32>} : memref<48xf32, #tpu.memory_space<vmem>>, vector<16xf32>,
      tpu.vector_store %arg20[%swap3A_138], %gather3A_137 {strides = array<i32>} : memref<48xf32, #tpu.memory_space<vmem>>, vector<16xf32>,
      %gather3A_140 = tpu.vector_load_idx %arg15[%min3A_136] : memref<10000xf32, #tpu.memory_space<vmem>>[vector<16xi32>], vector<16xf32>,
      %swap3A_141 = arith.constant 32 : index
      %swap3A_142 = tpu.vector_load %arg21[%swap3A_141] {strides = array<i32>} : memref<48xf32, #tpu.memory_space<vmem>>, vector<16xf32>,
      tpu.vector_store %arg21[%swap3A_141], %gather3A_140 {strides = array<i32>} : memref<48xf32, #tpu.memory_space<vmem>>, vector<16xf32>,
      %gather3A_143 = tpu.vector_load_idx %arg16[%min3A_136] : memref<10000xf32, #tpu.memory_space<vmem>>[vector<16xi32>], vector<16xf32>,
      %swap3A_144 = arith.constant 32 : index
      %swap3A_145 = tpu.vector_load %arg22[%swap3A_144] {strides = array<i32>} : memref<48xf32, #tpu.memory_space<vmem>>, vector<16xf32>,
      tpu.vector_store %arg22[%swap3A_144], %gather3A_143 {strides = array<i32>} : memref<48xf32, #tpu.memory_space<vmem>>, vector<16xf32>,
      %dma_wait3A = tpu.memref_slice %arg11[%mul3A_34] : memref<10016xi32, #tpu.memory_space<vmem>> -> memref<40xi32, #tpu.memory_space<vmem>>
      %dma_wait3A_146 = arith.constant 0 : i32
      %dma_wait3A_147 = arith.constant 0 : i32
      %dma_wait3A_148 = tpu.memref_slice %arg3[%dma_wait3A_146, %dma_wait3A_147] : memref<10000x128xf32, #tpu.memory_space<hbm>> -> memref<10000x128xf32, #tpu.memory_space<hbm>>
      tpu.wait_indirect_dma semaphore(%arg23 : memref<!tpu.dma_semaphore, #tpu.memory_space<semaphore_mem>>) src(%dma_wait3A_148 : memref<10000x128xf32, #tpu.memory_space<hbm>>) dst(%arg12 : memref<40x128xf32, #tpu.memory_space<vmem>>)
      %dma_start3A_149 = arith.constant 0 : i32
      %dma_start3A_150 = tpu.memref_slice %arg7[%add3A_28, %dma_start3A_149] : memref<320000x128xf32, #tpu.memory_space<hbm>> -> memref<40x128xf32, #tpu.memory_space<hbm>>
      %dma_start3A_151 = arith.constant 0 : i32
      %dma_start3A_152 = tpu.memref_slice %arg7[%add3A_28, %dma_start3A_151] : memref<320000x128xf32, #tpu.memory_space<hbm>> -> memref<40x128xf32, #tpu.memory_space<hbm>>
      tpu.enqueue_dma source(%arg12 : memref<40x128xf32, #tpu.memory_space<vmem>>) target(%dma_start3A_152 : memref<40x128xf32, #tpu.memory_space<hbm>>) target_semaphore(%arg25 : memref<!tpu.dma_semaphore, #tpu.memory_space<semaphore_mem>>)
      %dma_start3A_153 = arith.constant 0 : i32
      %dma_start3A_154 = tpu.memref_slice %arg17[%dma_start3A_153] : memref<48xf32, #tpu.memory_space<vmem>> -> memref<40xf32, #tpu.memory_space<vmem>>
      %dma_start3A_155 = tpu.memref_slice %arg8[%add3A_28] : memref<320000xf32, #tpu.memory_space<hbm>> -> memref<40xf32, #tpu.memory_space<hbm>>
      %dma_start3A_156 = tpu.memref_slice %arg8[%add3A_28] : memref<320000xf32, #tpu.memory_space<hbm>> -> memref<40xf32, #tpu.memory_space<hbm>>
      %dma_start3A_157 = arith.constant 0 : i32
      %dma_start3A_158 = tpu.memref_slice %arg17[%dma_start3A_157] : memref<48xf32, #tpu.memory_space<vmem>> -> memref<40xf32, #tpu.memory_space<vmem>>
      tpu.enqueue_dma source(%dma_start3A_158 : memref<40xf32, #tpu.memory_space<vmem>>) target(%dma_start3A_156 : memref<40xf32, #tpu.memory_space<hbm>>) target_semaphore(%arg25 : memref<!tpu.dma_semaphore, #tpu.memory_space<semaphore_mem>>)
      %dma_start3A_159 = arith.constant 0 : i32
      %dma_start3A_160 = tpu.memref_slice %arg18[%dma_start3A_159] : memref<48xf32, #tpu.memory_space<vmem>> -> memref<40xf32, #tpu.memory_space<vmem>>
      %dma_start3A_161 = tpu.memref_slice %arg9[%add3A_28] : memref<320000xf32, #tpu.memory_space<hbm>> -> memref<40xf32, #tpu.memory_space<hbm>>
      %dma_start3A_162 = tpu.memref_slice %arg9[%add3A_28] : memref<320000xf32, #tpu.memory_space<hbm>> -> memref<40xf32, #tpu.memory_space<hbm>>
      %dma_start3A_163 = arith.constant 0 : i32
      %dma_start3A_164 = tpu.memref_slice %arg18[%dma_start3A_163] : memref<48xf32, #tpu.memory_space<vmem>> -> memref<40xf32, #tpu.memory_space<vmem>>
      tpu.enqueue_dma source(%dma_start3A_164 : memref<40xf32, #tpu.memory_space<vmem>>) target(%dma_start3A_162 : memref<40xf32, #tpu.memory_space<hbm>>) target_semaphore(%arg25 : memref<!tpu.dma_semaphore, #tpu.memory_space<semaphore_mem>>)
      %dma_start3A_165 = arith.constant 0 : i32
      %dma_start3A_166 = tpu.memref_slice %arg19[%dma_start3A_165] : memref<48xf32, #tpu.memory_space<vmem>> -> memref<40xf32, #tpu.memory_space<vmem>>
      %dma_start3A_167 = tpu.memref_slice %arg10[%add3A_28] : memref<320000xf32, #tpu.memory_space<hbm>> -> memref<40xf32, #tpu.memory_space<hbm>>
      %dma_start3A_168 = tpu.memref_slice %arg10[%add3A_28] : memref<320000xf32, #tpu.memory_space<hbm>> -> memref<40xf32, #tpu.memory_space<hbm>>
      %dma_start3A_169 = arith.constant 0 : i32
      %dma_start3A_170 = tpu.memref_slice %arg19[%dma_start3A_169] : memref<48xf32, #tpu.memory_space<vmem>> -> memref<40xf32, #tpu.memory_space<vmem>>
      tpu.enqueue_dma source(%dma_start3A_170 : memref<40xf32, #tpu.memory_space<vmem>>) target(%dma_start3A_168 : memref<40xf32, #tpu.memory_space<hbm>>) target_semaphore(%arg25 : memref<!tpu.dma_semaphore, #tpu.memory_space<semaphore_mem>>)
      %dma_wait3A_171 = tpu.memref_slice %arg11[%add3A_36] : memref<10016xi32, #tpu.memory_space<vmem>> -> memref<40xi32, #tpu.memory_space<vmem>>
      %dma_wait3A_172 = arith.constant 0 : i32
      %dma_wait3A_173 = arith.constant 0 : i32
      %dma_wait3A_174 = tpu.memref_slice %arg3[%dma_wait3A_172, %dma_wait3A_173] : memref<10000x128xf32, #tpu.memory_space<hbm>> -> memref<10000x128xf32, #tpu.memory_space<hbm>>
      tpu.wait_indirect_dma semaphore(%arg24 : memref<!tpu.dma_semaphore, #tpu.memory_space<semaphore_mem>>) src(%dma_wait3A_174 : memref<10000x128xf32, #tpu.memory_space<hbm>>) dst(%arg13 : memref<40x128xf32, #tpu.memory_space<vmem>>)
      %dma_start3A_175 = arith.constant 0 : i32
      %dma_start3A_176 = tpu.memref_slice %arg7[%add3A_30, %dma_start3A_175] : memref<320000x128xf32, #tpu.memory_space<hbm>> -> memref<40x128xf32, #tpu.memory_space<hbm>>
      %dma_start3A_177 = arith.constant 0 : i32
      %dma_start3A_178 = tpu.memref_slice %arg7[%add3A_30, %dma_start3A_177] : memref<320000x128xf32, #tpu.memory_space<hbm>> -> memref<40x128xf32, #tpu.memory_space<hbm>>
      tpu.enqueue_dma source(%arg13 : memref<40x128xf32, #tpu.memory_space<vmem>>) target(%dma_start3A_178 : memref<40x128xf32, #tpu.memory_space<hbm>>) target_semaphore(%arg26 : memref<!tpu.dma_semaphore, #tpu.memory_space<semaphore_mem>>)
      %dma_start3A_179 = arith.constant 0 : i32
      %dma_start3A_180 = tpu.memref_slice %arg20[%dma_start3A_179] : memref<48xf32, #tpu.memory_space<vmem>> -> memref<40xf32, #tpu.memory_space<vmem>>
      %dma_start3A_181 = tpu.memref_slice %arg8[%add3A_30] : memref<320000xf32, #tpu.memory_space<hbm>> -> memref<40xf32, #tpu.memory_space<hbm>>
      %dma_start3A_182 = tpu.memref_slice %arg8[%add3A_30] : memref<320000xf32, #tpu.memory_space<hbm>> -> memref<40xf32, #tpu.memory_space<hbm>>
      %dma_start3A_183 = arith.constant 0 : i32
      %dma_start3A_184 = tpu.memref_slice %arg20[%dma_start3A_183] : memref<48xf32, #tpu.memory_space<vmem>> -> memref<40xf32, #tpu.memory_space<vmem>>
      tpu.enqueue_dma source(%dma_start3A_184 : memref<40xf32, #tpu.memory_space<vmem>>) target(%dma_start3A_182 : memref<40xf32, #tpu.memory_space<hbm>>) target_semaphore(%arg26 : memref<!tpu.dma_semaphore, #tpu.memory_space<semaphore_mem>>)
      %dma_start3A_185 = arith.constant 0 : i32
      %dma_start3A_186 = tpu.memref_slice %arg21[%dma_start3A_185] : memref<48xf32, #tpu.memory_space<vmem>> -> memref<40xf32, #tpu.memory_space<vmem>>
      %dma_start3A_187 = tpu.memref_slice %arg9[%add3A_30] : memref<320000xf32, #tpu.memory_space<hbm>> -> memref<40xf32, #tpu.memory_space<hbm>>
      %dma_start3A_188 = tpu.memref_slice %arg9[%add3A_30] : memref<320000xf32, #tpu.memory_space<hbm>> -> memref<40xf32, #tpu.memory_space<hbm>>
      %dma_start3A_189 = arith.constant 0 : i32
      %dma_start3A_190 = tpu.memref_slice %arg21[%dma_start3A_189] : memref<48xf32, #tpu.memory_space<vmem>> -> memref<40xf32, #tpu.memory_space<vmem>>
      tpu.enqueue_dma source(%dma_start3A_190 : memref<40xf32, #tpu.memory_space<vmem>>) target(%dma_start3A_188 : memref<40xf32, #tpu.memory_space<hbm>>) target_semaphore(%arg26 : memref<!tpu.dma_semaphore, #tpu.memory_space<semaphore_mem>>)
      %dma_start3A_191 = arith.constant 0 : i32
      %dma_start3A_192 = tpu.memref_slice %arg22[%dma_start3A_191] : memref<48xf32, #tpu.memory_space<vmem>> -> memref<40xf32, #tpu.memory_space<vmem>>
      %dma_start3A_193 = tpu.memref_slice %arg10[%add3A_30] : memref<320000xf32, #tpu.memory_space<hbm>> -> memref<40xf32, #tpu.memory_space<hbm>>
      %dma_start3A_194 = tpu.memref_slice %arg10[%add3A_30] : memref<320000xf32, #tpu.memory_space<hbm>> -> memref<40xf32, #tpu.memory_space<hbm>>
      %dma_start3A_195 = arith.constant 0 : i32
      %dma_start3A_196 = tpu.memref_slice %arg22[%dma_start3A_195] : memref<48xf32, #tpu.memory_space<vmem>> -> memref<40xf32, #tpu.memory_space<vmem>>
      tpu.enqueue_dma source(%dma_start3A_196 : memref<40xf32, #tpu.memory_space<vmem>>) target(%dma_start3A_194 : memref<40xf32, #tpu.memory_space<hbm>>) target_semaphore(%arg26 : memref<!tpu.dma_semaphore, #tpu.memory_space<semaphore_mem>>)
    }
    %scan3A_7 = arith.constant 125 : i32
    %mul3A_8 = arith.constant 10000 : i32
    %mul3A_9 = arith.muli %add3A, %mul3A_8 : i32
    %gt3A = arith.constant 1 : i32
    %gt3A_10 = arith.constant 0 : i32
    %gt3A_11 = arith.cmpi sgt, %gt3A, %gt3A_10 : i32
    %convert_element_type3A = arith.extui %gt3A_11 : i1 to i32
    %cond3A = arith.constant 0 : i32
    %cond3A_12 = arith.cmpi ne, %convert_element_type3A, %cond3A : i32
    scf.if %cond3A_12 {
      %dma_wait3A = arith.constant 0 : i32
      %dma_wait3A_21 = tpu.memref_slice %arg7[%mul3A_9, %dma_wait3A] : memref<320000x128xf32, #tpu.memory_space<hbm>> -> memref<40x128xf32, #tpu.memory_space<hbm>>
      %dma_wait3A_22 = arith.constant 0 : i32
      %dma_wait3A_23 = tpu.memref_slice %arg7[%mul3A_9, %dma_wait3A_22] : memref<320000x128xf32, #tpu.memory_space<hbm>> -> memref<40x128xf32, #tpu.memory_space<hbm>>
      tpu.wait_dma2 semaphore(%arg25 : memref<!tpu.dma_semaphore, #tpu.memory_space<semaphore_mem>>) src(%arg12 : memref<40x128xf32, #tpu.memory_space<vmem>>) dst(%dma_wait3A_23 : memref<40x128xf32, #tpu.memory_space<hbm>>)
      %dma_wait3A_24 = arith.constant 0 : i32
      %dma_wait3A_25 = tpu.memref_slice %arg17[%dma_wait3A_24] : memref<48xf32, #tpu.memory_space<vmem>> -> memref<40xf32, #tpu.memory_space<vmem>>
      %dma_wait3A_26 = tpu.memref_slice %arg8[%mul3A_9] : memref<320000xf32, #tpu.memory_space<hbm>> -> memref<40xf32, #tpu.memory_space<hbm>>
      %dma_wait3A_27 = tpu.memref_slice %arg8[%mul3A_9] : memref<320000xf32, #tpu.memory_space<hbm>> -> memref<40xf32, #tpu.memory_space<hbm>>
      %dma_wait3A_28 = arith.constant 0 : i32
      %dma_wait3A_29 = tpu.memref_slice %arg17[%dma_wait3A_28] : memref<48xf32, #tpu.memory_space<vmem>> -> memref<40xf32, #tpu.memory_space<vmem>>
      tpu.wait_dma2 semaphore(%arg25 : memref<!tpu.dma_semaphore, #tpu.memory_space<semaphore_mem>>) src(%dma_wait3A_29 : memref<40xf32, #tpu.memory_space<vmem>>) dst(%dma_wait3A_27 : memref<40xf32, #tpu.memory_space<hbm>>)
      %dma_wait3A_30 = arith.constant 0 : i32
      %dma_wait3A_31 = tpu.memref_slice %arg18[%dma_wait3A_30] : memref<48xf32, #tpu.memory_space<vmem>> -> memref<40xf32, #tpu.memory_space<vmem>>
      %dma_wait3A_32 = tpu.memref_slice %arg9[%mul3A_9] : memref<320000xf32, #tpu.memory_space<hbm>> -> memref<40xf32, #tpu.memory_space<hbm>>
      %dma_wait3A_33 = tpu.memref_slice %arg9[%mul3A_9] : memref<320000xf32, #tpu.memory_space<hbm>> -> memref<40xf32, #tpu.memory_space<hbm>>
      %dma_wait3A_34 = arith.constant 0 : i32
      %dma_wait3A_35 = tpu.memref_slice %arg18[%dma_wait3A_34] : memref<48xf32, #tpu.memory_space<vmem>> -> memref<40xf32, #tpu.memory_space<vmem>>
      tpu.wait_dma2 semaphore(%arg25 : memref<!tpu.dma_semaphore, #tpu.memory_space<semaphore_mem>>) src(%dma_wait3A_35 : memref<40xf32, #tpu.memory_space<vmem>>) dst(%dma_wait3A_33 : memref<40xf32, #tpu.memory_space<hbm>>)
      %dma_wait3A_36 = arith.constant 0 : i32
      %dma_wait3A_37 = tpu.memref_slice %arg19[%dma_wait3A_36] : memref<48xf32, #tpu.memory_space<vmem>> -> memref<40xf32, #tpu.memory_space<vmem>>
      %dma_wait3A_38 = tpu.memref_slice %arg10[%mul3A_9] : memref<320000xf32, #tpu.memory_space<hbm>> -> memref<40xf32, #tpu.memory_space<hbm>>
      %dma_wait3A_39 = tpu.memref_slice %arg10[%mul3A_9] : memref<320000xf32, #tpu.memory_space<hbm>> -> memref<40xf32, #tpu.memory_space<hbm>>
      %dma_wait3A_40 = arith.constant 0 : i32
      %dma_wait3A_41 = tpu.memref_slice %arg19[%dma_wait3A_40] : memref<48xf32, #tpu.memory_space<vmem>> -> memref<40xf32, #tpu.memory_space<vmem>>
      tpu.wait_dma2 semaphore(%arg25 : memref<!tpu.dma_semaphore, #tpu.memory_space<semaphore_mem>>) src(%dma_wait3A_41 : memref<40xf32, #tpu.memory_space<vmem>>) dst(%dma_wait3A_39 : memref<40xf32, #tpu.memory_space<hbm>>)
    } else {
    }
    %add3A_13 = arith.constant 40 : i32
    %add3A_14 = arith.addi %mul3A_9, %add3A_13 : i32
    %gt3A_15 = arith.constant 1 : i32
    %gt3A_16 = arith.constant 0 : i32
    %gt3A_17 = arith.cmpi sgt, %gt3A_15, %gt3A_16 : i32
    %convert_element_type3A_18 = arith.extui %gt3A_17 : i1 to i32
    %cond3A_19 = arith.constant 0 : i32
    %cond3A_20 = arith.cmpi ne, %convert_element_type3A_18, %cond3A_19 : i32
    scf.if %cond3A_20 {
      %dma_wait3A = arith.constant 0 : i32
      %dma_wait3A_21 = tpu.memref_slice %arg7[%add3A_14, %dma_wait3A] : memref<320000x128xf32, #tpu.memory_space<hbm>> -> memref<40x128xf32, #tpu.memory_space<hbm>>
      %dma_wait3A_22 = arith.constant 0 : i32
      %dma_wait3A_23 = tpu.memref_slice %arg7[%add3A_14, %dma_wait3A_22] : memref<320000x128xf32, #tpu.memory_space<hbm>> -> memref<40x128xf32, #tpu.memory_space<hbm>>
      tpu.wait_dma2 semaphore(%arg26 : memref<!tpu.dma_semaphore, #tpu.memory_space<semaphore_mem>>) src(%arg13 : memref<40x128xf32, #tpu.memory_space<vmem>>) dst(%dma_wait3A_23 : memref<40x128xf32, #tpu.memory_space<hbm>>)
      %dma_wait3A_24 = arith.constant 0 : i32
      %dma_wait3A_25 = tpu.memref_slice %arg20[%dma_wait3A_24] : memref<48xf32, #tpu.memory_space<vmem>> -> memref<40xf32, #tpu.memory_space<vmem>>
      %dma_wait3A_26 = tpu.memref_slice %arg8[%add3A_14] : memref<320000xf32, #tpu.memory_space<hbm>> -> memref<40xf32, #tpu.memory_space<hbm>>
      %dma_wait3A_27 = tpu.memref_slice %arg8[%add3A_14] : memref<320000xf32, #tpu.memory_space<hbm>> -> memref<40xf32, #tpu.memory_space<hbm>>
      %dma_wait3A_28 = arith.constant 0 : i32
      %dma_wait3A_29 = tpu.memref_slice %arg20[%dma_wait3A_28] : memref<48xf32, #tpu.memory_space<vmem>> -> memref<40xf32, #tpu.memory_space<vmem>>
      tpu.wait_dma2 semaphore(%arg26 : memref<!tpu.dma_semaphore, #tpu.memory_space<semaphore_mem>>) src(%dma_wait3A_29 : memref<40xf32, #tpu.memory_space<vmem>>) dst(%dma_wait3A_27 : memref<40xf32, #tpu.memory_space<hbm>>)
      %dma_wait3A_30 = arith.constant 0 : i32
      %dma_wait3A_31 = tpu.memref_slice %arg21[%dma_wait3A_30] : memref<48xf32, #tpu.memory_space<vmem>> -> memref<40xf32, #tpu.memory_space<vmem>>
      %dma_wait3A_32 = tpu.memref_slice %arg9[%add3A_14] : memref<320000xf32, #tpu.memory_space<hbm>> -> memref<40xf32, #tpu.memory_space<hbm>>
      %dma_wait3A_33 = tpu.memref_slice %arg9[%add3A_14] : memref<320000xf32, #tpu.memory_space<hbm>> -> memref<40xf32, #tpu.memory_space<hbm>>
      %dma_wait3A_34 = arith.constant 0 : i32
      %dma_wait3A_35 = tpu.memref_slice %arg21[%dma_wait3A_34] : memref<48xf32, #tpu.memory_space<vmem>> -> memref<40xf32, #tpu.memory_space<vmem>>
      tpu.wait_dma2 semaphore(%arg26 : memref<!tpu.dma_semaphore, #tpu.memory_space<semaphore_mem>>) src(%dma_wait3A_35 : memref<40xf32, #tpu.memory_space<vmem>>) dst(%dma_wait3A_33 : memref<40xf32, #tpu.memory_space<hbm>>)
      %dma_wait3A_36 = arith.constant 0 : i32
      %dma_wait3A_37 = tpu.memref_slice %arg22[%dma_wait3A_36] : memref<48xf32, #tpu.memory_space<vmem>> -> memref<40xf32, #tpu.memory_space<vmem>>
      %dma_wait3A_38 = tpu.memref_slice %arg10[%add3A_14] : memref<320000xf32, #tpu.memory_space<hbm>> -> memref<40xf32, #tpu.memory_space<hbm>>
      %dma_wait3A_39 = tpu.memref_slice %arg10[%add3A_14] : memref<320000xf32, #tpu.memory_space<hbm>> -> memref<40xf32, #tpu.memory_space<hbm>>
      %dma_wait3A_40 = arith.constant 0 : i32
      %dma_wait3A_41 = tpu.memref_slice %arg22[%dma_wait3A_40] : memref<48xf32, #tpu.memory_space<vmem>> -> memref<40xf32, #tpu.memory_space<vmem>>
      tpu.wait_dma2 semaphore(%arg26 : memref<!tpu.dma_semaphore, #tpu.memory_space<semaphore_mem>>) src(%dma_wait3A_41 : memref<40xf32, #tpu.memory_space<vmem>>) dst(%dma_wait3A_39 : memref<40xf32, #tpu.memory_space<hbm>>)
    } else {
    }
    return
  }
}

module attributes {stable_mosaic.version = 14 : i64} {
  func.func @_tc_bn_body(%arg0: i32, %arg1: memref<1000x128xf32, #tpu.memory_space<vmem>>, %arg2: memref<8x128xf32, #tpu.memory_space<vmem>>, %arg3: memref<1x128xf32, #tpu.memory_space<vmem>>, %arg4: memref<1x128xf32, #tpu.memory_space<vmem>>, %arg5: memref<1000x128xf32, #tpu.memory_space<vmem>>) attributes {dimension_semantics = [#tpu.dimension_semantics<arbitrary>], iteration_bounds = array<i64: 10>, scalar_prefetch = 0 : i64, scratch_operands = 0 : i64, tpu.core_type = #tpu.core_type<tc>, window_params = [{transform_indices = @transform_0, window_bounds = array<i64: 1000, 128>}, {pipeline_mode = #tpu.pipeline_mode<synchronous>, transform_indices = @transform_1, window_bounds = array<i64: 8, 128>}, {pipeline_mode = #tpu.pipeline_mode<synchronous>, transform_indices = @transform_2, window_bounds = array<i64: 1, 128>}, {pipeline_mode = #tpu.pipeline_mode<synchronous>, transform_indices = @transform_3, window_bounds = array<i64: 1, 128>}, {transform_indices = @transform_4, window_bounds = array<i64: 1000, 128>}]} {
    %get3A = arith.constant 0 : index
    %get3A_0 = arith.constant 0 : index
    %get3A_1 = vector.load %arg2[%get3A, %get3A_0] : memref<8x128xf32, #tpu.memory_space<vmem>>, vector<1x128xf32>
    %div3A = arith.constant 1.000000e+04 : f32
    %div3A_2 = vector.broadcast %div3A : f32 to vector<1x128xf32>
    %div3A_3 = arith.divf %get3A_1, %div3A_2 : vector<1x128xf32>
    %get3A_4 = arith.constant 1 : index
    %get3A_5 = arith.constant 0 : index
    %get3A_6 = vector.load %arg2[%get3A_4, %get3A_5] : memref<8x128xf32, #tpu.memory_space<vmem>>, vector<1x128xf32>
    %div3A_7 = arith.constant 1.000000e+04 : f32
    %div3A_8 = vector.broadcast %div3A_7 : f32 to vector<1x128xf32>
    %div3A_9 = arith.divf %get3A_6, %div3A_8 : vector<1x128xf32>
    %mul3A = arith.mulf %div3A_3, %div3A_3 : vector<1x128xf32>
    %sub3A = arith.subf %div3A_9, %mul3A : vector<1x128xf32>
    %get3A_10 = arith.constant 0 : index
    %get3A_11 = arith.constant 0 : index
    %get3A_12 = vector.load %arg1[%get3A_10, %get3A_11] : memref<1000x128xf32, #tpu.memory_space<vmem>>, vector<1000x128xf32>
    %sub3A_13 = vector.broadcast %div3A_3 : vector<1x128xf32> to vector<1000x128xf32>
    %sub3A_14 = arith.subf %get3A_12, %sub3A_13 : vector<1000x128xf32>
    %add3A = arith.constant 9.99999997E-7 : f32
    %add3A_15 = vector.broadcast %add3A : f32 to vector<1x128xf32>
    %add3A_16 = arith.addf %sub3A, %add3A_15 : vector<1x128xf32>
    %sqrt3A = math.sqrt %add3A_16 : vector<1x128xf32>
    %div3A_17 = vector.broadcast %sqrt3A : vector<1x128xf32> to vector<1000x128xf32>
    %div3A_18 = arith.divf %sub3A_14, %div3A_17 : vector<1000x128xf32>
    %get3A_19 = arith.constant 0 : index
    %get3A_20 = arith.constant 0 : index
    %get3A_21 = vector.load %arg3[%get3A_19, %get3A_20] : memref<1x128xf32, #tpu.memory_space<vmem>>, vector<1x128xf32>
    %mul3A_22 = vector.broadcast %get3A_21 : vector<1x128xf32> to vector<1000x128xf32>
    %mul3A_23 = arith.mulf %div3A_18, %mul3A_22 : vector<1000x128xf32>
    %get3A_24 = arith.constant 0 : index
    %get3A_25 = arith.constant 0 : index
    %get3A_26 = vector.load %arg4[%get3A_24, %get3A_25] : memref<1x128xf32, #tpu.memory_space<vmem>>, vector<1x128xf32>
    %add3A_27 = vector.broadcast %get3A_26 : vector<1x128xf32> to vector<1000x128xf32>
    %add3A_28 = arith.addf %mul3A_23, %add3A_27 : vector<1000x128xf32>
    %ge3A = arith.constant 0.000000e+00 : f32
    %ge3A_29 = vector.broadcast %ge3A : f32 to vector<1000x128xf32>
    %ge3A_30 = arith.cmpf oge, %add3A_28, %ge3A_29 : vector<1000x128xf32>
    %mul3A_31 = arith.constant 1.000000e-01 : f32
    %mul3A_32 = vector.broadcast %mul3A_31 : f32 to vector<1000x128xf32>
    %mul3A_33 = arith.mulf %mul3A_32, %add3A_28 : vector<1000x128xf32>
    %select_n3A = arith.select %ge3A_30, %add3A_28, %mul3A_33 : vector<1000x128xi1>, vector<1000x128xf32>
    %swap3A = arith.constant 0 : index
    %swap3A_34 = arith.constant 0 : index
    %swap3A_35 = vector.load %arg5[%swap3A, %swap3A_34] : memref<1000x128xf32, #tpu.memory_space<vmem>>, vector<1000x128xf32>
    tpu.vector_store %arg5[%swap3A, %swap3A_34], %select_n3A {strides = array<i32>} : memref<1000x128xf32, #tpu.memory_space<vmem>>, vector<1000x128xf32>,
    return
  }
  func.func @transform_0(%arg0: i32) -> (i32, i32) {
    %c0_i32 = arith.constant 0 : i32
    %c0_i32_0 = arith.constant 0 : i32
    return %arg0, %c0_i32 : i32, i32
  }
  func.func @transform_1(%arg0: i32) -> (i32, i32) {
    %c0_i32 = arith.constant 0 : i32
    %c0_i32_0 = arith.constant 0 : i32
    %c0_i32_1 = arith.constant 0 : i32
    return %c0_i32, %c0_i32_0 : i32, i32
  }
  func.func @transform_2(%arg0: i32) -> (i32, i32) {
    %c0_i32 = arith.constant 0 : i32
    %c0_i32_0 = arith.constant 0 : i32
    %c0_i32_1 = arith.constant 0 : i32
    return %c0_i32, %c0_i32_0 : i32, i32
  }
  func.func @transform_3(%arg0: i32) -> (i32, i32) {
    %c0_i32 = arith.constant 0 : i32
    %c0_i32_0 = arith.constant 0 : i32
    %c0_i32_1 = arith.constant 0 : i32
    return %c0_i32, %c0_i32_0 : i32, i32
  }
  func.func @transform_4(%arg0: i32) -> (i32, i32) {
    %c0_i32 = arith.constant 0 : i32
    %c0_i32_0 = arith.constant 0 : i32
    return %arg0, %c0_i32 : i32, i32
  }
}

module attributes {stable_mosaic.version = 14 : i64} {
  func.func @_tc_main_body(%arg0: i32, %arg1: memref<200x32x128xf32, #tpu.memory_space<vmem>>, %arg2: memref<200x32xf32, #tpu.memory_space<vmem>>, %arg3: memref<200x32xf32, #tpu.memory_space<vmem>>, %arg4: memref<200x32xf32, #tpu.memory_space<vmem>>, %arg5: memref<200x4xf32, #tpu.memory_space<vmem>>, %arg6: memref<16x4xf32, #tpu.memory_space<vmem>>, %arg7: memref<3x16xf32, #tpu.memory_space<vmem>>, %arg8: memref<16x128x128xf32, #tpu.memory_space<vmem>>, %arg9: memref<16x128x128xf32, #tpu.memory_space<vmem>>, %arg10: memref<1x128xf32, #tpu.memory_space<vmem>>, %arg11: memref<200x128xf32, #tpu.memory_space<vmem>>, %arg12: memref<8x128xf32, #tpu.memory_space<vmem>>) attributes {dimension_semantics = [#tpu.dimension_semantics<arbitrary>], iteration_bounds = array<i64: 50>, scalar_prefetch = 0 : i64, scratch_operands = 0 : i64, tpu.core_type = #tpu.core_type<tc>, window_params = [{transform_indices = @transform_0, window_bounds = array<i64: 200, 32, 128>}, {transform_indices = @transform_1, window_bounds = array<i64: 200, 32>}, {transform_indices = @transform_2, window_bounds = array<i64: 200, 32>}, {transform_indices = @transform_3, window_bounds = array<i64: 200, 32>}, {transform_indices = @transform_4, window_bounds = array<i64: 200, 4>}, {pipeline_mode = #tpu.pipeline_mode<synchronous>, transform_indices = @transform_5, window_bounds = array<i64: 16, 4>}, {pipeline_mode = #tpu.pipeline_mode<synchronous>, transform_indices = @transform_6, window_bounds = array<i64: 3, 16>}, {pipeline_mode = #tpu.pipeline_mode<synchronous>, transform_indices = @transform_7, window_bounds = array<i64: 16, 128, 128>}, {pipeline_mode = #tpu.pipeline_mode<synchronous>, transform_indices = @transform_8, window_bounds = array<i64: 16, 128, 128>}, {pipeline_mode = #tpu.pipeline_mode<synchronous>, transform_indices = @transform_9, window_bounds = array<i64: 1, 128>}, {transform_indices = @transform_10, window_bounds = array<i64: 200, 128>}, {pipeline_mode = #tpu.pipeline_mode<synchronous>, transform_indices = @transform_11, window_bounds = array<i64: 8, 128>}]} {
    %get3A = arith.constant 0 : index
    %get3A_0 = arith.constant 0 : index
    %get3A_1 = arith.constant 0 : index
    %get3A_2 = vector.load %arg1[%get3A, %get3A_0, %get3A_1] : memref<200x32x128xf32, #tpu.memory_space<vmem>>, vector<200x32x128xf32>
    %get3A_3 = arith.constant 0 : index
    %get3A_4 = arith.constant 0 : index
    %get3A_5 = vector.load %arg5[%get3A_3, %get3A_4] : memref<200x4xf32, #tpu.memory_space<vmem>>, vector<200x4xf32>
    %get3A_6 = arith.constant 0 : index
    %get3A_7 = arith.constant 0 : index
    %get3A_8 = vector.load %arg6[%get3A_6, %get3A_7] : memref<16x4xf32, #tpu.memory_space<vmem>>, vector<16x4xf32>
    %get3A_9 = arith.constant 0 : index
    %get3A_10 = arith.constant 0 : index
    %get3A_11 = vector.load %arg7[%get3A_9, %get3A_10] : memref<3x16xf32, #tpu.memory_space<vmem>>, vector<3x16xf32>
    %get3A_12 = arith.constant 0 : index
    %get3A_13 = arith.constant 0 : index
    %get3A_14 = vector.load %arg2[%get3A_12, %get3A_13] : memref<200x32xf32, #tpu.memory_space<vmem>>, vector<200x32xf32>
    %slice3A = vector.extract_strided_slice %get3A_5 {offsets = [0, 0], sizes = [200, 1], strides = [1, 1]} : vector<200x4xf32> to vector<200x1xf32>
    %sub3A = vector.broadcast %slice3A : vector<200x1xf32> to vector<200x32xf32>
    %sub3A_15 = arith.subf %get3A_14, %sub3A : vector<200x32xf32>
    %get3A_16 = arith.constant 0 : index
    %get3A_17 = arith.constant 0 : index
    %get3A_18 = vector.load %arg3[%get3A_16, %get3A_17] : memref<200x32xf32, #tpu.memory_space<vmem>>, vector<200x32xf32>
    %slice3A_19 = vector.extract_strided_slice %get3A_5 {offsets = [0, 1], sizes = [200, 1], strides = [1, 1]} : vector<200x4xf32> to vector<200x1xf32>
    %sub3A_20 = vector.broadcast %slice3A_19 : vector<200x1xf32> to vector<200x32xf32>
    %sub3A_21 = arith.subf %get3A_18, %sub3A_20 : vector<200x32xf32>
    %get3A_22 = arith.constant 0 : index
    %get3A_23 = arith.constant 0 : index
    %get3A_24 = vector.load %arg4[%get3A_22, %get3A_23] : memref<200x32xf32, #tpu.memory_space<vmem>>, vector<200x32xf32>
    %slice3A_25 = vector.extract_strided_slice %get3A_5 {offsets = [0, 2], sizes = [200, 1], strides = [1, 1]} : vector<200x4xf32> to vector<200x1xf32>
    %sub3A_26 = vector.broadcast %slice3A_25 : vector<200x1xf32> to vector<200x32xf32>
    %sub3A_27 = arith.subf %get3A_24, %sub3A_26 : vector<200x32xf32>
    %broadcast_in_dim3A = vector.shape_cast %sub3A_15 : vector<200x32xf32> to vector<200x1x32xf32>
    %slice3A_28 = vector.extract_strided_slice %get3A_8 {offsets = [0, 0], sizes = [16, 1], strides = [1, 1]} : vector<16x4xf32> to vector<16x1xf32>
    %broadcast_in_dim3A_29 = vector.shape_cast %slice3A_28 : vector<16x1xf32> to vector<1x16x1xf32>
    %sub3A_30 = vector.broadcast %broadcast_in_dim3A : vector<200x1x32xf32> to vector<200x16x32xf32>
    %sub3A_31 = vector.broadcast %broadcast_in_dim3A_29 : vector<1x16x1xf32> to vector<200x16x32xf32>
    %sub3A_32 = arith.subf %sub3A_30, %sub3A_31 : vector<200x16x32xf32>
    %broadcast_in_dim3A_33 = vector.shape_cast %sub3A_21 : vector<200x32xf32> to vector<200x1x32xf32>
    %slice3A_34 = vector.extract_strided_slice %get3A_8 {offsets = [0, 1], sizes = [16, 1], strides = [1, 1]} : vector<16x4xf32> to vector<16x1xf32>
    %broadcast_in_dim3A_35 = vector.shape_cast %slice3A_34 : vector<16x1xf32> to vector<1x16x1xf32>
    %sub3A_36 = vector.broadcast %broadcast_in_dim3A_33 : vector<200x1x32xf32> to vector<200x16x32xf32>
    %sub3A_37 = vector.broadcast %broadcast_in_dim3A_35 : vector<1x16x1xf32> to vector<200x16x32xf32>
    %sub3A_38 = arith.subf %sub3A_36, %sub3A_37 : vector<200x16x32xf32>
    %broadcast_in_dim3A_39 = vector.shape_cast %sub3A_27 : vector<200x32xf32> to vector<200x1x32xf32>
    %slice3A_40 = vector.extract_strided_slice %get3A_8 {offsets = [0, 2], sizes = [16, 1], strides = [1, 1]} : vector<16x4xf32> to vector<16x1xf32>
    %broadcast_in_dim3A_41 = vector.shape_cast %slice3A_40 : vector<16x1xf32> to vector<1x16x1xf32>
    %sub3A_42 = vector.broadcast %broadcast_in_dim3A_39 : vector<200x1x32xf32> to vector<200x16x32xf32>
    %sub3A_43 = vector.broadcast %broadcast_in_dim3A_41 : vector<1x16x1xf32> to vector<200x16x32xf32>
    %sub3A_44 = arith.subf %sub3A_42, %sub3A_43 : vector<200x16x32xf32>
    %mul3A = arith.mulf %sub3A_32, %sub3A_32 : vector<200x16x32xf32>
    %mul3A_45 = arith.mulf %sub3A_38, %sub3A_38 : vector<200x16x32xf32>
    %add3A = arith.addf %mul3A, %mul3A_45 : vector<200x16x32xf32>
    %mul3A_46 = arith.mulf %sub3A_44, %sub3A_44 : vector<200x16x32xf32>
    %add3A_47 = arith.addf %add3A, %mul3A_46 : vector<200x16x32xf32>
    %iota3A = tpu.iota {dimensions = array<i32: 1>} : vector<1x16x1xi32>
    %lt3A = arith.constant 15 : i32
    %lt3A_48 = vector.broadcast %lt3A : i32 to vector<1x16x1xi32>
    %lt3A_49 = arith.cmpi slt, %iota3A, %lt3A_48 : vector<1x16x1xi32>
    %sqrt3A = math.sqrt %add3A_47 : vector<200x16x32xf32>
    %div3A = arith.constant 6.000000e-01 : f32
    %div3A_50 = vector.broadcast %div3A : f32 to vector<200x16x32xf32>
    %div3A_51 = arith.divf %sqrt3A, %div3A_50 : vector<200x16x32xf32>
    %sub3A_52 = arith.constant 1.000000e+00 : f32
    %sub3A_53 = vector.broadcast %sub3A_52 : f32 to vector<200x16x32xf32>
    %sub3A_54 = arith.subf %sub3A_53, %div3A_51 : vector<200x16x32xf32>
    %max3A = arith.constant 0.000000e+00 : f32
    %max3A_55 = vector.broadcast %max3A : f32 to vector<200x16x32xf32>
    %max3A_56 = arith.maximumf %sub3A_54, %max3A_55 : vector<200x16x32xf32>
    %jit3A = arith.constant 0.000000e+00 : f32
    %broadcast_in_dim3A_57 = vector.shape_cast %lt3A_49 : vector<1x16x1xi1> to vector<1x16x1xi1>
    %broadcast_in_dim3A_58 = vector.broadcast %broadcast_in_dim3A_57 : vector<1x16x1xi1> to vector<200x16x32xi1>
    %broadcast_in_dim3A_59 = vector.broadcast %jit3A : f32 to vector<200x16x32xf32>
    %select_n3A = arith.select %broadcast_in_dim3A_58, %max3A_56, %broadcast_in_dim3A_59 : vector<200x16x32xi1>, vector<200x16x32xf32>
    %dot_general3A = arith.constant dense<0.000000e+00> : vector<200x16x128xf32>
    %dot_general3A_60 = tpu.matmul %select_n3A, %get3A_2, %dot_general3A {dimension_numbers = #tpu.dot_dimension_numbers<[2], [1], [1], [2], [0, 0, 0, 1, 1, 2], [0], [0]>, transpose_lhs_hint = false} : vector<200x16x32xf32>, vector<200x32x128xf32>, vector<200x16x128xf32> -> vector<200x16x128xf32>
    %get3A_61 = arith.constant 0 : index
    %get3A_62 = arith.constant 0 : index
    %get3A_63 = vector.load %arg10[%get3A_61, %get3A_62] : memref<1x128xf32, #tpu.memory_space<vmem>>, vector<1x128xf32>
    %broadcast_in_dim3A_64 = arith.constant 1.000000e+00 : f32
    %broadcast_in_dim3A_65 = vector.broadcast %broadcast_in_dim3A_64 : f32 to vector<200x1xf32>
    %mul3A_66 = vector.broadcast %get3A_63 : vector<1x128xf32> to vector<200x128xf32>
    %mul3A_67 = vector.broadcast %broadcast_in_dim3A_65 : vector<200x1xf32> to vector<200x128xf32>
    %mul3A_68 = arith.mulf %mul3A_66, %mul3A_67 : vector<200x128xf32>
    %slice3A_69 = vector.extract_strided_slice %dot_general3A_60 {offsets = [0, 0, 0], sizes = [200, 1, 128], strides = [1, 1, 1]} : vector<200x16x128xf32> to vector<200x1x128xf32>
    %squeeze3A = vector.shape_cast %slice3A_69 : vector<200x1x128xf32> to vector<200x128xf32>
    %get3A_70 = arith.constant 0 : index
    %get3A_71 = arith.constant 0 : index
    %get3A_72 = arith.constant 0 : index
    %get3A_73 = vector.load %arg9[%get3A_70, %get3A_71, %get3A_72] : memref<16x128x128xf32, #tpu.memory_space<vmem>>, vector<1x128x128xf32>
    %get3A_74 = vector.shape_cast %get3A_73 : vector<1x128x128xf32> to vector<128x128xf32>
    %dot_general3A_75 = arith.constant dense<0.000000e+00> : vector<200x128xf32>
    %dot_general3A_76 = tpu.matmul %squeeze3A, %get3A_74, %dot_general3A_75 {dimension_numbers = #tpu.dot_dimension_numbers<[1], [0], [0], [1], [0, 0, 1, 1], [], []>, transpose_lhs_hint = false} : vector<200x128xf32>, vector<128x128xf32>, vector<200x128xf32> -> vector<200x128xf32>
    %add3A_77 = arith.addf %mul3A_68, %dot_general3A_76 : vector<200x128xf32>
    %slice3A_78 = vector.extract_strided_slice %dot_general3A_60 {offsets = [0, 1, 0], sizes = [200, 1, 128], strides = [1, 1, 1]} : vector<200x16x128xf32> to vector<200x1x128xf32>
    %squeeze3A_79 = vector.shape_cast %slice3A_78 : vector<200x1x128xf32> to vector<200x128xf32>
    %get3A_80 = arith.constant 1 : index
    %get3A_81 = arith.constant 0 : index
    %get3A_82 = arith.constant 0 : index
    %get3A_83 = vector.load %arg9[%get3A_80, %get3A_81, %get3A_82] : memref<16x128x128xf32, #tpu.memory_space<vmem>>, vector<1x128x128xf32>
    %get3A_84 = vector.shape_cast %get3A_83 : vector<1x128x128xf32> to vector<128x128xf32>
    %dot_general3A_85 = arith.constant dense<0.000000e+00> : vector<200x128xf32>
    %dot_general3A_86 = tpu.matmul %squeeze3A_79, %get3A_84, %dot_general3A_85 {dimension_numbers = #tpu.dot_dimension_numbers<[1], [0], [0], [1], [0, 0, 1, 1], [], []>, transpose_lhs_hint = false} : vector<200x128xf32>, vector<128x128xf32>, vector<200x128xf32> -> vector<200x128xf32>
    %add3A_87 = arith.addf %add3A_77, %dot_general3A_86 : vector<200x128xf32>
    %slice3A_88 = vector.extract_strided_slice %dot_general3A_60 {offsets = [0, 2, 0], sizes = [200, 1, 128], strides = [1, 1, 1]} : vector<200x16x128xf32> to vector<200x1x128xf32>
    %squeeze3A_89 = vector.shape_cast %slice3A_88 : vector<200x1x128xf32> to vector<200x128xf32>
    %get3A_90 = arith.constant 2 : index
    %get3A_91 = arith.constant 0 : index
    %get3A_92 = arith.constant 0 : index
    %get3A_93 = vector.load %arg9[%get3A_90, %get3A_91, %get3A_92] : memref<16x128x128xf32, #tpu.memory_space<vmem>>, vector<1x128x128xf32>
    %get3A_94 = vector.shape_cast %get3A_93 : vector<1x128x128xf32> to vector<128x128xf32>
    %dot_general3A_95 = arith.constant dense<0.000000e+00> : vector<200x128xf32>
    %dot_general3A_96 = tpu.matmul %squeeze3A_89, %get3A_94, %dot_general3A_95 {dimension_numbers = #tpu.dot_dimension_numbers<[1], [0], [0], [1], [0, 0, 1, 1], [], []>, transpose_lhs_hint = false} : vector<200x128xf32>, vector<128x128xf32>, vector<200x128xf32> -> vector<200x128xf32>
    %add3A_97 = arith.addf %add3A_87, %dot_general3A_96 : vector<200x128xf32>
    %slice3A_98 = vector.extract_strided_slice %dot_general3A_60 {offsets = [0, 3, 0], sizes = [200, 1, 128], strides = [1, 1, 1]} : vector<200x16x128xf32> to vector<200x1x128xf32>
    %squeeze3A_99 = vector.shape_cast %slice3A_98 : vector<200x1x128xf32> to vector<200x128xf32>
    %get3A_100 = arith.constant 3 : index
    %get3A_101 = arith.constant 0 : index
    %get3A_102 = arith.constant 0 : index
    %get3A_103 = vector.load %arg9[%get3A_100, %get3A_101, %get3A_102] : memref<16x128x128xf32, #tpu.memory_space<vmem>>, vector<1x128x128xf32>
    %get3A_104 = vector.shape_cast %get3A_103 : vector<1x128x128xf32> to vector<128x128xf32>
    %dot_general3A_105 = arith.constant dense<0.000000e+00> : vector<200x128xf32>
    %dot_general3A_106 = tpu.matmul %squeeze3A_99, %get3A_104, %dot_general3A_105 {dimension_numbers = #tpu.dot_dimension_numbers<[1], [0], [0], [1], [0, 0, 1, 1], [], []>, transpose_lhs_hint = false} : vector<200x128xf32>, vector<128x128xf32>, vector<200x128xf32> -> vector<200x128xf32>
    %add3A_107 = arith.addf %add3A_97, %dot_general3A_106 : vector<200x128xf32>
    %slice3A_108 = vector.extract_strided_slice %dot_general3A_60 {offsets = [0, 4, 0], sizes = [200, 1, 128], strides = [1, 1, 1]} : vector<200x16x128xf32> to vector<200x1x128xf32>
    %squeeze3A_109 = vector.shape_cast %slice3A_108 : vector<200x1x128xf32> to vector<200x128xf32>
    %get3A_110 = arith.constant 4 : index
    %get3A_111 = arith.constant 0 : index
    %get3A_112 = arith.constant 0 : index
    %get3A_113 = vector.load %arg9[%get3A_110, %get3A_111, %get3A_112] : memref<16x128x128xf32, #tpu.memory_space<vmem>>, vector<1x128x128xf32>
    %get3A_114 = vector.shape_cast %get3A_113 : vector<1x128x128xf32> to vector<128x128xf32>
    %dot_general3A_115 = arith.constant dense<0.000000e+00> : vector<200x128xf32>
    %dot_general3A_116 = tpu.matmul %squeeze3A_109, %get3A_114, %dot_general3A_115 {dimension_numbers = #tpu.dot_dimension_numbers<[1], [0], [0], [1], [0, 0, 1, 1], [], []>, transpose_lhs_hint = false} : vector<200x128xf32>, vector<128x128xf32>, vector<200x128xf32> -> vector<200x128xf32>
    %add3A_117 = arith.addf %add3A_107, %dot_general3A_116 : vector<200x128xf32>
    %slice3A_118 = vector.extract_strided_slice %dot_general3A_60 {offsets = [0, 5, 0], sizes = [200, 1, 128], strides = [1, 1, 1]} : vector<200x16x128xf32> to vector<200x1x128xf32>
    %squeeze3A_119 = vector.shape_cast %slice3A_118 : vector<200x1x128xf32> to vector<200x128xf32>
    %get3A_120 = arith.constant 5 : index
    %get3A_121 = arith.constant 0 : index
    %get3A_122 = arith.constant 0 : index
    %get3A_123 = vector.load %arg9[%get3A_120, %get3A_121, %get3A_122] : memref<16x128x128xf32, #tpu.memory_space<vmem>>, vector<1x128x128xf32>
    %get3A_124 = vector.shape_cast %get3A_123 : vector<1x128x128xf32> to vector<128x128xf32>
    %dot_general3A_125 = arith.constant dense<0.000000e+00> : vector<200x128xf32>
    %dot_general3A_126 = tpu.matmul %squeeze3A_119, %get3A_124, %dot_general3A_125 {dimension_numbers = #tpu.dot_dimension_numbers<[1], [0], [0], [1], [0, 0, 1, 1], [], []>, transpose_lhs_hint = false} : vector<200x128xf32>, vector<128x128xf32>, vector<200x128xf32> -> vector<200x128xf32>
    %add3A_127 = arith.addf %add3A_117, %dot_general3A_126 : vector<200x128xf32>
    %slice3A_128 = vector.extract_strided_slice %dot_general3A_60 {offsets = [0, 6, 0], sizes = [200, 1, 128], strides = [1, 1, 1]} : vector<200x16x128xf32> to vector<200x1x128xf32>
    %squeeze3A_129 = vector.shape_cast %slice3A_128 : vector<200x1x128xf32> to vector<200x128xf32>
    %get3A_130 = arith.constant 6 : index
    %get3A_131 = arith.constant 0 : index
    %get3A_132 = arith.constant 0 : index
    %get3A_133 = vector.load %arg9[%get3A_130, %get3A_131, %get3A_132] : memref<16x128x128xf32, #tpu.memory_space<vmem>>, vector<1x128x128xf32>
    %get3A_134 = vector.shape_cast %get3A_133 : vector<1x128x128xf32> to vector<128x128xf32>
    %dot_general3A_135 = arith.constant dense<0.000000e+00> : vector<200x128xf32>
    %dot_general3A_136 = tpu.matmul %squeeze3A_129, %get3A_134, %dot_general3A_135 {dimension_numbers = #tpu.dot_dimension_numbers<[1], [0], [0], [1], [0, 0, 1, 1], [], []>, transpose_lhs_hint = false} : vector<200x128xf32>, vector<128x128xf32>, vector<200x128xf32> -> vector<200x128xf32>
    %add3A_137 = arith.addf %add3A_127, %dot_general3A_136 : vector<200x128xf32>
    %slice3A_138 = vector.extract_strided_slice %dot_general3A_60 {offsets = [0, 7, 0], sizes = [200, 1, 128], strides = [1, 1, 1]} : vector<200x16x128xf32> to vector<200x1x128xf32>
    %squeeze3A_139 = vector.shape_cast %slice3A_138 : vector<200x1x128xf32> to vector<200x128xf32>
    %get3A_140 = arith.constant 7 : index
    %get3A_141 = arith.constant 0 : index
    %get3A_142 = arith.constant 0 : index
    %get3A_143 = vector.load %arg9[%get3A_140, %get3A_141, %get3A_142] : memref<16x128x128xf32, #tpu.memory_space<vmem>>, vector<1x128x128xf32>
    %get3A_144 = vector.shape_cast %get3A_143 : vector<1x128x128xf32> to vector<128x128xf32>
    %dot_general3A_145 = arith.constant dense<0.000000e+00> : vector<200x128xf32>
    %dot_general3A_146 = tpu.matmul %squeeze3A_139, %get3A_144, %dot_general3A_145 {dimension_numbers = #tpu.dot_dimension_numbers<[1], [0], [0], [1], [0, 0, 1, 1], [], []>, transpose_lhs_hint = false} : vector<200x128xf32>, vector<128x128xf32>, vector<200x128xf32> -> vector<200x128xf32>
    %add3A_147 = arith.addf %add3A_137, %dot_general3A_146 : vector<200x128xf32>
    %slice3A_148 = vector.extract_strided_slice %dot_general3A_60 {offsets = [0, 8, 0], sizes = [200, 1, 128], strides = [1, 1, 1]} : vector<200x16x128xf32> to vector<200x1x128xf32>
    %squeeze3A_149 = vector.shape_cast %slice3A_148 : vector<200x1x128xf32> to vector<200x128xf32>
    %get3A_150 = arith.constant 8 : index
    %get3A_151 = arith.constant 0 : index
    %get3A_152 = arith.constant 0 : index
    %get3A_153 = vector.load %arg9[%get3A_150, %get3A_151, %get3A_152] : memref<16x128x128xf32, #tpu.memory_space<vmem>>, vector<1x128x128xf32>
    %get3A_154 = vector.shape_cast %get3A_153 : vector<1x128x128xf32> to vector<128x128xf32>
    %dot_general3A_155 = arith.constant dense<0.000000e+00> : vector<200x128xf32>
    %dot_general3A_156 = tpu.matmul %squeeze3A_149, %get3A_154, %dot_general3A_155 {dimension_numbers = #tpu.dot_dimension_numbers<[1], [0], [0], [1], [0, 0, 1, 1], [], []>, transpose_lhs_hint = false} : vector<200x128xf32>, vector<128x128xf32>, vector<200x128xf32> -> vector<200x128xf32>
    %add3A_157 = arith.addf %add3A_147, %dot_general3A_156 : vector<200x128xf32>
    %slice3A_158 = vector.extract_strided_slice %dot_general3A_60 {offsets = [0, 9, 0], sizes = [200, 1, 128], strides = [1, 1, 1]} : vector<200x16x128xf32> to vector<200x1x128xf32>
    %squeeze3A_159 = vector.shape_cast %slice3A_158 : vector<200x1x128xf32> to vector<200x128xf32>
    %get3A_160 = arith.constant 9 : index
    %get3A_161 = arith.constant 0 : index
    %get3A_162 = arith.constant 0 : index
    %get3A_163 = vector.load %arg9[%get3A_160, %get3A_161, %get3A_162] : memref<16x128x128xf32, #tpu.memory_space<vmem>>, vector<1x128x128xf32>
    %get3A_164 = vector.shape_cast %get3A_163 : vector<1x128x128xf32> to vector<128x128xf32>
    %dot_general3A_165 = arith.constant dense<0.000000e+00> : vector<200x128xf32>
    %dot_general3A_166 = tpu.matmul %squeeze3A_159, %get3A_164, %dot_general3A_165 {dimension_numbers = #tpu.dot_dimension_numbers<[1], [0], [0], [1], [0, 0, 1, 1], [], []>, transpose_lhs_hint = false} : vector<200x128xf32>, vector<128x128xf32>, vector<200x128xf32> -> vector<200x128xf32>
    %add3A_167 = arith.addf %add3A_157, %dot_general3A_166 : vector<200x128xf32>
    %slice3A_168 = vector.extract_strided_slice %dot_general3A_60 {offsets = [0, 10, 0], sizes = [200, 1, 128], strides = [1, 1, 1]} : vector<200x16x128xf32> to vector<200x1x128xf32>
    %squeeze3A_169 = vector.shape_cast %slice3A_168 : vector<200x1x128xf32> to vector<200x128xf32>
    %get3A_170 = arith.constant 10 : index
    %get3A_171 = arith.constant 0 : index
    %get3A_172 = arith.constant 0 : index
    %get3A_173 = vector.load %arg9[%get3A_170, %get3A_171, %get3A_172] : memref<16x128x128xf32, #tpu.memory_space<vmem>>, vector<1x128x128xf32>
    %get3A_174 = vector.shape_cast %get3A_173 : vector<1x128x128xf32> to vector<128x128xf32>
    %dot_general3A_175 = arith.constant dense<0.000000e+00> : vector<200x128xf32>
    %dot_general3A_176 = tpu.matmul %squeeze3A_169, %get3A_174, %dot_general3A_175 {dimension_numbers = #tpu.dot_dimension_numbers<[1], [0], [0], [1], [0, 0, 1, 1], [], []>, transpose_lhs_hint = false} : vector<200x128xf32>, vector<128x128xf32>, vector<200x128xf32> -> vector<200x128xf32>
    %add3A_177 = arith.addf %add3A_167, %dot_general3A_176 : vector<200x128xf32>
    %slice3A_178 = vector.extract_strided_slice %dot_general3A_60 {offsets = [0, 11, 0], sizes = [200, 1, 128], strides = [1, 1, 1]} : vector<200x16x128xf32> to vector<200x1x128xf32>
    %squeeze3A_179 = vector.shape_cast %slice3A_178 : vector<200x1x128xf32> to vector<200x128xf32>
    %get3A_180 = arith.constant 11 : index
    %get3A_181 = arith.constant 0 : index
    %get3A_182 = arith.constant 0 : index
    %get3A_183 = vector.load %arg9[%get3A_180, %get3A_181, %get3A_182] : memref<16x128x128xf32, #tpu.memory_space<vmem>>, vector<1x128x128xf32>
    %get3A_184 = vector.shape_cast %get3A_183 : vector<1x128x128xf32> to vector<128x128xf32>
    %dot_general3A_185 = arith.constant dense<0.000000e+00> : vector<200x128xf32>
    %dot_general3A_186 = tpu.matmul %squeeze3A_179, %get3A_184, %dot_general3A_185 {dimension_numbers = #tpu.dot_dimension_numbers<[1], [0], [0], [1], [0, 0, 1, 1], [], []>, transpose_lhs_hint = false} : vector<200x128xf32>, vector<128x128xf32>, vector<200x128xf32> -> vector<200x128xf32>
    %add3A_187 = arith.addf %add3A_177, %dot_general3A_186 : vector<200x128xf32>
    %slice3A_188 = vector.extract_strided_slice %dot_general3A_60 {offsets = [0, 12, 0], sizes = [200, 1, 128], strides = [1, 1, 1]} : vector<200x16x128xf32> to vector<200x1x128xf32>
    %squeeze3A_189 = vector.shape_cast %slice3A_188 : vector<200x1x128xf32> to vector<200x128xf32>
    %get3A_190 = arith.constant 12 : index
    %get3A_191 = arith.constant 0 : index
    %get3A_192 = arith.constant 0 : index
    %get3A_193 = vector.load %arg9[%get3A_190, %get3A_191, %get3A_192] : memref<16x128x128xf32, #tpu.memory_space<vmem>>, vector<1x128x128xf32>
    %get3A_194 = vector.shape_cast %get3A_193 : vector<1x128x128xf32> to vector<128x128xf32>
    %dot_general3A_195 = arith.constant dense<0.000000e+00> : vector<200x128xf32>
    %dot_general3A_196 = tpu.matmul %squeeze3A_189, %get3A_194, %dot_general3A_195 {dimension_numbers = #tpu.dot_dimension_numbers<[1], [0], [0], [1], [0, 0, 1, 1], [], []>, transpose_lhs_hint = false} : vector<200x128xf32>, vector<128x128xf32>, vector<200x128xf32> -> vector<200x128xf32>
    %add3A_197 = arith.addf %add3A_187, %dot_general3A_196 : vector<200x128xf32>
    %slice3A_198 = vector.extract_strided_slice %dot_general3A_60 {offsets = [0, 13, 0], sizes = [200, 1, 128], strides = [1, 1, 1]} : vector<200x16x128xf32> to vector<200x1x128xf32>
    %squeeze3A_199 = vector.shape_cast %slice3A_198 : vector<200x1x128xf32> to vector<200x128xf32>
    %get3A_200 = arith.constant 13 : index
    %get3A_201 = arith.constant 0 : index
    %get3A_202 = arith.constant 0 : index
    %get3A_203 = vector.load %arg9[%get3A_200, %get3A_201, %get3A_202] : memref<16x128x128xf32, #tpu.memory_space<vmem>>, vector<1x128x128xf32>
    %get3A_204 = vector.shape_cast %get3A_203 : vector<1x128x128xf32> to vector<128x128xf32>
    %dot_general3A_205 = arith.constant dense<0.000000e+00> : vector<200x128xf32>
    %dot_general3A_206 = tpu.matmul %squeeze3A_199, %get3A_204, %dot_general3A_205 {dimension_numbers = #tpu.dot_dimension_numbers<[1], [0], [0], [1], [0, 0, 1, 1], [], []>, transpose_lhs_hint = false} : vector<200x128xf32>, vector<128x128xf32>, vector<200x128xf32> -> vector<200x128xf32>
    %add3A_207 = arith.addf %add3A_197, %dot_general3A_206 : vector<200x128xf32>
    %slice3A_208 = vector.extract_strided_slice %dot_general3A_60 {offsets = [0, 14, 0], sizes = [200, 1, 128], strides = [1, 1, 1]} : vector<200x16x128xf32> to vector<200x1x128xf32>
    %squeeze3A_209 = vector.shape_cast %slice3A_208 : vector<200x1x128xf32> to vector<200x128xf32>
    %get3A_210 = arith.constant 14 : index
    %get3A_211 = arith.constant 0 : index
    %get3A_212 = arith.constant 0 : index
    %get3A_213 = vector.load %arg9[%get3A_210, %get3A_211, %get3A_212] : memref<16x128x128xf32, #tpu.memory_space<vmem>>, vector<1x128x128xf32>
    %get3A_214 = vector.shape_cast %get3A_213 : vector<1x128x128xf32> to vector<128x128xf32>
    %dot_general3A_215 = arith.constant dense<0.000000e+00> : vector<200x128xf32>
    %dot_general3A_216 = tpu.matmul %squeeze3A_209, %get3A_214, %dot_general3A_215 {dimension_numbers = #tpu.dot_dimension_numbers<[1], [0], [0], [1], [0, 0, 1, 1], [], []>, transpose_lhs_hint = false} : vector<200x128xf32>, vector<128x128xf32>, vector<200x128xf32> -> vector<200x128xf32>
    %add3A_217 = arith.addf %add3A_207, %dot_general3A_216 : vector<200x128xf32>
    %mul3A_218 = arith.constant 6.000000e-01 : f32
    %mul3A_219 = vector.broadcast %mul3A_218 : f32 to vector<200x128xf32>
    %mul3A_220 = arith.mulf %add3A_217, %mul3A_219 : vector<200x128xf32>
    %slice3A_221 = vector.extract_strided_slice %get3A_11 {offsets = [0, 0], sizes = [1, 16], strides = [1, 1]} : vector<3x16xf32> to vector<1x16xf32>
    %slice3A_222 = vector.extract_strided_slice %mul3A_220 {offsets = [0, 0], sizes = [200, 16], strides = [1, 1]} : vector<200x128xf32> to vector<200x16xf32>
    %add3A_223 = vector.broadcast %slice3A_221 : vector<1x16xf32> to vector<200x16xf32>
    %add3A_224 = arith.addf %add3A_223, %slice3A_222 : vector<200x16xf32>
    %slice3A_225 = vector.extract_strided_slice %get3A_11 {offsets = [1, 0], sizes = [1, 16], strides = [1, 1]} : vector<3x16xf32> to vector<1x16xf32>
    %slice3A_226 = vector.extract_strided_slice %mul3A_220 {offsets = [0, 16], sizes = [200, 16], strides = [1, 1]} : vector<200x128xf32> to vector<200x16xf32>
    %add3A_227 = vector.broadcast %slice3A_225 : vector<1x16xf32> to vector<200x16xf32>
    %add3A_228 = arith.addf %add3A_227, %slice3A_226 : vector<200x16xf32>
    %slice3A_229 = vector.extract_strided_slice %get3A_11 {offsets = [2, 0], sizes = [1, 16], strides = [1, 1]} : vector<3x16xf32> to vector<1x16xf32>
    %slice3A_230 = vector.extract_strided_slice %mul3A_220 {offsets = [0, 32], sizes = [200, 16], strides = [1, 1]} : vector<200x128xf32> to vector<200x16xf32>
    %add3A_231 = vector.broadcast %slice3A_229 : vector<1x16xf32> to vector<200x16xf32>
    %add3A_232 = arith.addf %add3A_231, %slice3A_230 : vector<200x16xf32>
    %broadcast_in_dim3A_233 = vector.shape_cast %sub3A_15 : vector<200x32xf32> to vector<200x1x32xf32>
    %broadcast_in_dim3A_234 = vector.shape_cast %add3A_224 : vector<200x16xf32> to vector<200x16x1xf32>
    %sub3A_235 = vector.broadcast %broadcast_in_dim3A_233 : vector<200x1x32xf32> to vector<200x16x32xf32>
    %sub3A_236 = vector.broadcast %broadcast_in_dim3A_234 : vector<200x16x1xf32> to vector<200x16x32xf32>
    %sub3A_237 = arith.subf %sub3A_235, %sub3A_236 : vector<200x16x32xf32>
    %broadcast_in_dim3A_238 = vector.shape_cast %sub3A_21 : vector<200x32xf32> to vector<200x1x32xf32>
    %broadcast_in_dim3A_239 = vector.shape_cast %add3A_228 : vector<200x16xf32> to vector<200x16x1xf32>
    %sub3A_240 = vector.broadcast %broadcast_in_dim3A_238 : vector<200x1x32xf32> to vector<200x16x32xf32>
    %sub3A_241 = vector.broadcast %broadcast_in_dim3A_239 : vector<200x16x1xf32> to vector<200x16x32xf32>
    %sub3A_242 = arith.subf %sub3A_240, %sub3A_241 : vector<200x16x32xf32>
    %broadcast_in_dim3A_243 = vector.shape_cast %sub3A_27 : vector<200x32xf32> to vector<200x1x32xf32>
    %broadcast_in_dim3A_244 = vector.shape_cast %add3A_232 : vector<200x16xf32> to vector<200x16x1xf32>
    %sub3A_245 = vector.broadcast %broadcast_in_dim3A_243 : vector<200x1x32xf32> to vector<200x16x32xf32>
    %sub3A_246 = vector.broadcast %broadcast_in_dim3A_244 : vector<200x16x1xf32> to vector<200x16x32xf32>
    %sub3A_247 = arith.subf %sub3A_245, %sub3A_246 : vector<200x16x32xf32>
    %mul3A_248 = arith.mulf %sub3A_237, %sub3A_237 : vector<200x16x32xf32>
    %mul3A_249 = arith.mulf %sub3A_242, %sub3A_242 : vector<200x16x32xf32>
    %add3A_250 = arith.addf %mul3A_248, %mul3A_249 : vector<200x16x32xf32>
    %mul3A_251 = arith.mulf %sub3A_247, %sub3A_247 : vector<200x16x32xf32>
    %add3A_252 = arith.addf %add3A_250, %mul3A_251 : vector<200x16x32xf32>
    %sqrt3A_253 = math.sqrt %add3A_252 : vector<200x16x32xf32>
    %div3A_254 = arith.constant 6.000000e-01 : f32
    %div3A_255 = vector.broadcast %div3A_254 : f32 to vector<200x16x32xf32>
    %div3A_256 = arith.divf %sqrt3A_253, %div3A_255 : vector<200x16x32xf32>
    %sub3A_257 = arith.constant 1.000000e+00 : f32
    %sub3A_258 = vector.broadcast %sub3A_257 : f32 to vector<200x16x32xf32>
    %sub3A_259 = arith.subf %sub3A_258, %div3A_256 : vector<200x16x32xf32>
    %max3A_260 = arith.constant 0.000000e+00 : f32
    %max3A_261 = vector.broadcast %max3A_260 : f32 to vector<200x16x32xf32>
    %max3A_262 = arith.maximumf %sub3A_259, %max3A_261 : vector<200x16x32xf32>
    %jit3A_263 = arith.constant 0.000000e+00 : f32
    %broadcast_in_dim3A_264 = vector.shape_cast %lt3A_49 : vector<1x16x1xi1> to vector<1x16x1xi1>
    %broadcast_in_dim3A_265 = vector.broadcast %broadcast_in_dim3A_264 : vector<1x16x1xi1> to vector<200x16x32xi1>
    %broadcast_in_dim3A_266 = vector.broadcast %jit3A_263 : f32 to vector<200x16x32xf32>
    %select_n3A_267 = arith.select %broadcast_in_dim3A_265, %max3A_262, %broadcast_in_dim3A_266 : vector<200x16x32xi1>, vector<200x16x32xf32>
    %dot_general3A_268 = arith.constant dense<0.000000e+00> : vector<200x16x128xf32>
    %dot_general3A_269 = tpu.matmul %select_n3A_267, %get3A_2, %dot_general3A_268 {dimension_numbers = #tpu.dot_dimension_numbers<[2], [1], [1], [2], [0, 0, 0, 1, 1, 2], [0], [0]>, transpose_lhs_hint = false} : vector<200x16x32xf32>, vector<200x32x128xf32>, vector<200x16x128xf32> -> vector<200x16x128xf32>
    %broadcast_in_dim3A_270 = arith.constant 0.000000e+00 : f32
    %broadcast_in_dim3A_271 = vector.broadcast %broadcast_in_dim3A_270 : f32 to vector<200x128xf32>
    %slice3A_272 = vector.extract_strided_slice %dot_general3A_269 {offsets = [0, 0, 0], sizes = [200, 1, 128], strides = [1, 1, 1]} : vector<200x16x128xf32> to vector<200x1x128xf32>
    %squeeze3A_273 = vector.shape_cast %slice3A_272 : vector<200x1x128xf32> to vector<200x128xf32>
    %get3A_274 = arith.constant 0 : index
    %get3A_275 = arith.constant 0 : index
    %get3A_276 = arith.constant 0 : index
    %get3A_277 = vector.load %arg8[%get3A_274, %get3A_275, %get3A_276] : memref<16x128x128xf32, #tpu.memory_space<vmem>>, vector<1x128x128xf32>
    %get3A_278 = vector.shape_cast %get3A_277 : vector<1x128x128xf32> to vector<128x128xf32>
    %dot_general3A_279 = arith.constant dense<0.000000e+00> : vector<200x128xf32>
    %dot_general3A_280 = tpu.matmul %squeeze3A_273, %get3A_278, %dot_general3A_279 {dimension_numbers = #tpu.dot_dimension_numbers<[1], [0], [0], [1], [0, 0, 1, 1], [], []>, transpose_lhs_hint = false} : vector<200x128xf32>, vector<128x128xf32>, vector<200x128xf32> -> vector<200x128xf32>
    %add3A_281 = arith.addf %broadcast_in_dim3A_271, %dot_general3A_280 : vector<200x128xf32>
    %slice3A_282 = vector.extract_strided_slice %dot_general3A_269 {offsets = [0, 1, 0], sizes = [200, 1, 128], strides = [1, 1, 1]} : vector<200x16x128xf32> to vector<200x1x128xf32>
    %squeeze3A_283 = vector.shape_cast %slice3A_282 : vector<200x1x128xf32> to vector<200x128xf32>
    %get3A_284 = arith.constant 1 : index
    %get3A_285 = arith.constant 0 : index
    %get3A_286 = arith.constant 0 : index
    %get3A_287 = vector.load %arg8[%get3A_284, %get3A_285, %get3A_286] : memref<16x128x128xf32, #tpu.memory_space<vmem>>, vector<1x128x128xf32>
    %get3A_288 = vector.shape_cast %get3A_287 : vector<1x128x128xf32> to vector<128x128xf32>
    %dot_general3A_289 = arith.constant dense<0.000000e+00> : vector<200x128xf32>
    %dot_general3A_290 = tpu.matmul %squeeze3A_283, %get3A_288, %dot_general3A_289 {dimension_numbers = #tpu.dot_dimension_numbers<[1], [0], [0], [1], [0, 0, 1, 1], [], []>, transpose_lhs_hint = false} : vector<200x128xf32>, vector<128x128xf32>, vector<200x128xf32> -> vector<200x128xf32>
    %add3A_291 = arith.addf %add3A_281, %dot_general3A_290 : vector<200x128xf32>
    %slice3A_292 = vector.extract_strided_slice %dot_general3A_269 {offsets = [0, 2, 0], sizes = [200, 1, 128], strides = [1, 1, 1]} : vector<200x16x128xf32> to vector<200x1x128xf32>
    %squeeze3A_293 = vector.shape_cast %slice3A_292 : vector<200x1x128xf32> to vector<200x128xf32>
    %get3A_294 = arith.constant 2 : index
    %get3A_295 = arith.constant 0 : index
    %get3A_296 = arith.constant 0 : index
    %get3A_297 = vector.load %arg8[%get3A_294, %get3A_295, %get3A_296] : memref<16x128x128xf32, #tpu.memory_space<vmem>>, vector<1x128x128xf32>
    %get3A_298 = vector.shape_cast %get3A_297 : vector<1x128x128xf32> to vector<128x128xf32>
    %dot_general3A_299 = arith.constant dense<0.000000e+00> : vector<200x128xf32>
    %dot_general3A_300 = tpu.matmul %squeeze3A_293, %get3A_298, %dot_general3A_299 {dimension_numbers = #tpu.dot_dimension_numbers<[1], [0], [0], [1], [0, 0, 1, 1], [], []>, transpose_lhs_hint = false} : vector<200x128xf32>, vector<128x128xf32>, vector<200x128xf32> -> vector<200x128xf32>
    %add3A_301 = arith.addf %add3A_291, %dot_general3A_300 : vector<200x128xf32>
    %slice3A_302 = vector.extract_strided_slice %dot_general3A_269 {offsets = [0, 3, 0], sizes = [200, 1, 128], strides = [1, 1, 1]} : vector<200x16x128xf32> to vector<200x1x128xf32>
    %squeeze3A_303 = vector.shape_cast %slice3A_302 : vector<200x1x128xf32> to vector<200x128xf32>
    %get3A_304 = arith.constant 3 : index
    %get3A_305 = arith.constant 0 : index
    %get3A_306 = arith.constant 0 : index
    %get3A_307 = vector.load %arg8[%get3A_304, %get3A_305, %get3A_306] : memref<16x128x128xf32, #tpu.memory_space<vmem>>, vector<1x128x128xf32>
    %get3A_308 = vector.shape_cast %get3A_307 : vector<1x128x128xf32> to vector<128x128xf32>
    %dot_general3A_309 = arith.constant dense<0.000000e+00> : vector<200x128xf32>
    %dot_general3A_310 = tpu.matmul %squeeze3A_303, %get3A_308, %dot_general3A_309 {dimension_numbers = #tpu.dot_dimension_numbers<[1], [0], [0], [1], [0, 0, 1, 1], [], []>, transpose_lhs_hint = false} : vector<200x128xf32>, vector<128x128xf32>, vector<200x128xf32> -> vector<200x128xf32>
    %add3A_311 = arith.addf %add3A_301, %dot_general3A_310 : vector<200x128xf32>
    %slice3A_312 = vector.extract_strided_slice %dot_general3A_269 {offsets = [0, 4, 0], sizes = [200, 1, 128], strides = [1, 1, 1]} : vector<200x16x128xf32> to vector<200x1x128xf32>
    %squeeze3A_313 = vector.shape_cast %slice3A_312 : vector<200x1x128xf32> to vector<200x128xf32>
    %get3A_314 = arith.constant 4 : index
    %get3A_315 = arith.constant 0 : index
    %get3A_316 = arith.constant 0 : index
    %get3A_317 = vector.load %arg8[%get3A_314, %get3A_315, %get3A_316] : memref<16x128x128xf32, #tpu.memory_space<vmem>>, vector<1x128x128xf32>
    %get3A_318 = vector.shape_cast %get3A_317 : vector<1x128x128xf32> to vector<128x128xf32>
    %dot_general3A_319 = arith.constant dense<0.000000e+00> : vector<200x128xf32>
    %dot_general3A_320 = tpu.matmul %squeeze3A_313, %get3A_318, %dot_general3A_319 {dimension_numbers = #tpu.dot_dimension_numbers<[1], [0], [0], [1], [0, 0, 1, 1], [], []>, transpose_lhs_hint = false} : vector<200x128xf32>, vector<128x128xf32>, vector<200x128xf32> -> vector<200x128xf32>
    %add3A_321 = arith.addf %add3A_311, %dot_general3A_320 : vector<200x128xf32>
    %slice3A_322 = vector.extract_strided_slice %dot_general3A_269 {offsets = [0, 5, 0], sizes = [200, 1, 128], strides = [1, 1, 1]} : vector<200x16x128xf32> to vector<200x1x128xf32>
    %squeeze3A_323 = vector.shape_cast %slice3A_322 : vector<200x1x128xf32> to vector<200x128xf32>
    %get3A_324 = arith.constant 5 : index
    %get3A_325 = arith.constant 0 : index
    %get3A_326 = arith.constant 0 : index
    %get3A_327 = vector.load %arg8[%get3A_324, %get3A_325, %get3A_326] : memref<16x128x128xf32, #tpu.memory_space<vmem>>, vector<1x128x128xf32>
    %get3A_328 = vector.shape_cast %get3A_327 : vector<1x128x128xf32> to vector<128x128xf32>
    %dot_general3A_329 = arith.constant dense<0.000000e+00> : vector<200x128xf32>
    %dot_general3A_330 = tpu.matmul %squeeze3A_323, %get3A_328, %dot_general3A_329 {dimension_numbers = #tpu.dot_dimension_numbers<[1], [0], [0], [1], [0, 0, 1, 1], [], []>, transpose_lhs_hint = false} : vector<200x128xf32>, vector<128x128xf32>, vector<200x128xf32> -> vector<200x128xf32>
    %add3A_331 = arith.addf %add3A_321, %dot_general3A_330 : vector<200x128xf32>
    %slice3A_332 = vector.extract_strided_slice %dot_general3A_269 {offsets = [0, 6, 0], sizes = [200, 1, 128], strides = [1, 1, 1]} : vector<200x16x128xf32> to vector<200x1x128xf32>
    %squeeze3A_333 = vector.shape_cast %slice3A_332 : vector<200x1x128xf32> to vector<200x128xf32>
    %get3A_334 = arith.constant 6 : index
    %get3A_335 = arith.constant 0 : index
    %get3A_336 = arith.constant 0 : index
    %get3A_337 = vector.load %arg8[%get3A_334, %get3A_335, %get3A_336] : memref<16x128x128xf32, #tpu.memory_space<vmem>>, vector<1x128x128xf32>
    %get3A_338 = vector.shape_cast %get3A_337 : vector<1x128x128xf32> to vector<128x128xf32>
    %dot_general3A_339 = arith.constant dense<0.000000e+00> : vector<200x128xf32>
    %dot_general3A_340 = tpu.matmul %squeeze3A_333, %get3A_338, %dot_general3A_339 {dimension_numbers = #tpu.dot_dimension_numbers<[1], [0], [0], [1], [0, 0, 1, 1], [], []>, transpose_lhs_hint = false} : vector<200x128xf32>, vector<128x128xf32>, vector<200x128xf32> -> vector<200x128xf32>
    %add3A_341 = arith.addf %add3A_331, %dot_general3A_340 : vector<200x128xf32>
    %slice3A_342 = vector.extract_strided_slice %dot_general3A_269 {offsets = [0, 7, 0], sizes = [200, 1, 128], strides = [1, 1, 1]} : vector<200x16x128xf32> to vector<200x1x128xf32>
    %squeeze3A_343 = vector.shape_cast %slice3A_342 : vector<200x1x128xf32> to vector<200x128xf32>
    %get3A_344 = arith.constant 7 : index
    %get3A_345 = arith.constant 0 : index
    %get3A_346 = arith.constant 0 : index
    %get3A_347 = vector.load %arg8[%get3A_344, %get3A_345, %get3A_346] : memref<16x128x128xf32, #tpu.memory_space<vmem>>, vector<1x128x128xf32>
    %get3A_348 = vector.shape_cast %get3A_347 : vector<1x128x128xf32> to vector<128x128xf32>
    %dot_general3A_349 = arith.constant dense<0.000000e+00> : vector<200x128xf32>
    %dot_general3A_350 = tpu.matmul %squeeze3A_343, %get3A_348, %dot_general3A_349 {dimension_numbers = #tpu.dot_dimension_numbers<[1], [0], [0], [1], [0, 0, 1, 1], [], []>, transpose_lhs_hint = false} : vector<200x128xf32>, vector<128x128xf32>, vector<200x128xf32> -> vector<200x128xf32>
    %add3A_351 = arith.addf %add3A_341, %dot_general3A_350 : vector<200x128xf32>
    %slice3A_352 = vector.extract_strided_slice %dot_general3A_269 {offsets = [0, 8, 0], sizes = [200, 1, 128], strides = [1, 1, 1]} : vector<200x16x128xf32> to vector<200x1x128xf32>
    %squeeze3A_353 = vector.shape_cast %slice3A_352 : vector<200x1x128xf32> to vector<200x128xf32>
    %get3A_354 = arith.constant 8 : index
    %get3A_355 = arith.constant 0 : index
    %get3A_356 = arith.constant 0 : index
    %get3A_357 = vector.load %arg8[%get3A_354, %get3A_355, %get3A_356] : memref<16x128x128xf32, #tpu.memory_space<vmem>>, vector<1x128x128xf32>
    %get3A_358 = vector.shape_cast %get3A_357 : vector<1x128x128xf32> to vector<128x128xf32>
    %dot_general3A_359 = arith.constant dense<0.000000e+00> : vector<200x128xf32>
    %dot_general3A_360 = tpu.matmul %squeeze3A_353, %get3A_358, %dot_general3A_359 {dimension_numbers = #tpu.dot_dimension_numbers<[1], [0], [0], [1], [0, 0, 1, 1], [], []>, transpose_lhs_hint = false} : vector<200x128xf32>, vector<128x128xf32>, vector<200x128xf32> -> vector<200x128xf32>
    %add3A_361 = arith.addf %add3A_351, %dot_general3A_360 : vector<200x128xf32>
    %slice3A_362 = vector.extract_strided_slice %dot_general3A_269 {offsets = [0, 9, 0], sizes = [200, 1, 128], strides = [1, 1, 1]} : vector<200x16x128xf32> to vector<200x1x128xf32>
    %squeeze3A_363 = vector.shape_cast %slice3A_362 : vector<200x1x128xf32> to vector<200x128xf32>
    %get3A_364 = arith.constant 9 : index
    %get3A_365 = arith.constant 0 : index
    %get3A_366 = arith.constant 0 : index
    %get3A_367 = vector.load %arg8[%get3A_364, %get3A_365, %get3A_366] : memref<16x128x128xf32, #tpu.memory_space<vmem>>, vector<1x128x128xf32>
    %get3A_368 = vector.shape_cast %get3A_367 : vector<1x128x128xf32> to vector<128x128xf32>
    %dot_general3A_369 = arith.constant dense<0.000000e+00> : vector<200x128xf32>
    %dot_general3A_370 = tpu.matmul %squeeze3A_363, %get3A_368, %dot_general3A_369 {dimension_numbers = #tpu.dot_dimension_numbers<[1], [0], [0], [1], [0, 0, 1, 1], [], []>, transpose_lhs_hint = false} : vector<200x128xf32>, vector<128x128xf32>, vector<200x128xf32> -> vector<200x128xf32>
    %add3A_371 = arith.addf %add3A_361, %dot_general3A_370 : vector<200x128xf32>
    %slice3A_372 = vector.extract_strided_slice %dot_general3A_269 {offsets = [0, 10, 0], sizes = [200, 1, 128], strides = [1, 1, 1]} : vector<200x16x128xf32> to vector<200x1x128xf32>
    %squeeze3A_373 = vector.shape_cast %slice3A_372 : vector<200x1x128xf32> to vector<200x128xf32>
    %get3A_374 = arith.constant 10 : index
    %get3A_375 = arith.constant 0 : index
    %get3A_376 = arith.constant 0 : index
    %get3A_377 = vector.load %arg8[%get3A_374, %get3A_375, %get3A_376] : memref<16x128x128xf32, #tpu.memory_space<vmem>>, vector<1x128x128xf32>
    %get3A_378 = vector.shape_cast %get3A_377 : vector<1x128x128xf32> to vector<128x128xf32>
    %dot_general3A_379 = arith.constant dense<0.000000e+00> : vector<200x128xf32>
    %dot_general3A_380 = tpu.matmul %squeeze3A_373, %get3A_378, %dot_general3A_379 {dimension_numbers = #tpu.dot_dimension_numbers<[1], [0], [0], [1], [0, 0, 1, 1], [], []>, transpose_lhs_hint = false} : vector<200x128xf32>, vector<128x128xf32>, vector<200x128xf32> -> vector<200x128xf32>
    %add3A_381 = arith.addf %add3A_371, %dot_general3A_380 : vector<200x128xf32>
    %slice3A_382 = vector.extract_strided_slice %dot_general3A_269 {offsets = [0, 11, 0], sizes = [200, 1, 128], strides = [1, 1, 1]} : vector<200x16x128xf32> to vector<200x1x128xf32>
    %squeeze3A_383 = vector.shape_cast %slice3A_382 : vector<200x1x128xf32> to vector<200x128xf32>
    %get3A_384 = arith.constant 11 : index
    %get3A_385 = arith.constant 0 : index
    %get3A_386 = arith.constant 0 : index
    %get3A_387 = vector.load %arg8[%get3A_384, %get3A_385, %get3A_386] : memref<16x128x128xf32, #tpu.memory_space<vmem>>, vector<1x128x128xf32>
    %get3A_388 = vector.shape_cast %get3A_387 : vector<1x128x128xf32> to vector<128x128xf32>
    %dot_general3A_389 = arith.constant dense<0.000000e+00> : vector<200x128xf32>
    %dot_general3A_390 = tpu.matmul %squeeze3A_383, %get3A_388, %dot_general3A_389 {dimension_numbers = #tpu.dot_dimension_numbers<[1], [0], [0], [1], [0, 0, 1, 1], [], []>, transpose_lhs_hint = false} : vector<200x128xf32>, vector<128x128xf32>, vector<200x128xf32> -> vector<200x128xf32>
    %add3A_391 = arith.addf %add3A_381, %dot_general3A_390 : vector<200x128xf32>
    %slice3A_392 = vector.extract_strided_slice %dot_general3A_269 {offsets = [0, 12, 0], sizes = [200, 1, 128], strides = [1, 1, 1]} : vector<200x16x128xf32> to vector<200x1x128xf32>
    %squeeze3A_393 = vector.shape_cast %slice3A_392 : vector<200x1x128xf32> to vector<200x128xf32>
    %get3A_394 = arith.constant 12 : index
    %get3A_395 = arith.constant 0 : index
    %get3A_396 = arith.constant 0 : index
    %get3A_397 = vector.load %arg8[%get3A_394, %get3A_395, %get3A_396] : memref<16x128x128xf32, #tpu.memory_space<vmem>>, vector<1x128x128xf32>
    %get3A_398 = vector.shape_cast %get3A_397 : vector<1x128x128xf32> to vector<128x128xf32>
    %dot_general3A_399 = arith.constant dense<0.000000e+00> : vector<200x128xf32>
    %dot_general3A_400 = tpu.matmul %squeeze3A_393, %get3A_398, %dot_general3A_399 {dimension_numbers = #tpu.dot_dimension_numbers<[1], [0], [0], [1], [0, 0, 1, 1], [], []>, transpose_lhs_hint = false} : vector<200x128xf32>, vector<128x128xf32>, vector<200x128xf32> -> vector<200x128xf32>
    %add3A_401 = arith.addf %add3A_391, %dot_general3A_400 : vector<200x128xf32>
    %slice3A_402 = vector.extract_strided_slice %dot_general3A_269 {offsets = [0, 13, 0], sizes = [200, 1, 128], strides = [1, 1, 1]} : vector<200x16x128xf32> to vector<200x1x128xf32>
    %squeeze3A_403 = vector.shape_cast %slice3A_402 : vector<200x1x128xf32> to vector<200x128xf32>
    %get3A_404 = arith.constant 13 : index
    %get3A_405 = arith.constant 0 : index
    %get3A_406 = arith.constant 0 : index
    %get3A_407 = vector.load %arg8[%get3A_404, %get3A_405, %get3A_406] : memref<16x128x128xf32, #tpu.memory_space<vmem>>, vector<1x128x128xf32>
    %get3A_408 = vector.shape_cast %get3A_407 : vector<1x128x128xf32> to vector<128x128xf32>
    %dot_general3A_409 = arith.constant dense<0.000000e+00> : vector<200x128xf32>
    %dot_general3A_410 = tpu.matmul %squeeze3A_403, %get3A_408, %dot_general3A_409 {dimension_numbers = #tpu.dot_dimension_numbers<[1], [0], [0], [1], [0, 0, 1, 1], [], []>, transpose_lhs_hint = false} : vector<200x128xf32>, vector<128x128xf32>, vector<200x128xf32> -> vector<200x128xf32>
    %add3A_411 = arith.addf %add3A_401, %dot_general3A_410 : vector<200x128xf32>
    %slice3A_412 = vector.extract_strided_slice %dot_general3A_269 {offsets = [0, 14, 0], sizes = [200, 1, 128], strides = [1, 1, 1]} : vector<200x16x128xf32> to vector<200x1x128xf32>
    %squeeze3A_413 = vector.shape_cast %slice3A_412 : vector<200x1x128xf32> to vector<200x128xf32>
    %get3A_414 = arith.constant 14 : index
    %get3A_415 = arith.constant 0 : index
    %get3A_416 = arith.constant 0 : index
    %get3A_417 = vector.load %arg8[%get3A_414, %get3A_415, %get3A_416] : memref<16x128x128xf32, #tpu.memory_space<vmem>>, vector<1x128x128xf32>
    %get3A_418 = vector.shape_cast %get3A_417 : vector<1x128x128xf32> to vector<128x128xf32>
    %dot_general3A_419 = arith.constant dense<0.000000e+00> : vector<200x128xf32>
    %dot_general3A_420 = tpu.matmul %squeeze3A_413, %get3A_418, %dot_general3A_419 {dimension_numbers = #tpu.dot_dimension_numbers<[1], [0], [0], [1], [0, 0, 1, 1], [], []>, transpose_lhs_hint = false} : vector<200x128xf32>, vector<128x128xf32>, vector<200x128xf32> -> vector<200x128xf32>
    %add3A_421 = arith.addf %add3A_411, %dot_general3A_420 : vector<200x128xf32>
    %swap3A = arith.constant 0 : index
    %swap3A_422 = arith.constant 0 : index
    %swap3A_423 = vector.load %arg11[%swap3A, %swap3A_422] : memref<200x128xf32, #tpu.memory_space<vmem>>, vector<200x128xf32>
    tpu.vector_store %arg11[%swap3A, %swap3A_422], %add3A_421 {strides = array<i32>} : memref<200x128xf32, #tpu.memory_space<vmem>>, vector<200x128xf32>,
    %eq3A = arith.constant 0 : i32
    %eq3A_424 = arith.cmpi eq, %arg0, %eq3A : i32
    %convert_element_type3A = arith.extui %eq3A_424 : i1 to i32
    %cond3A = arith.constant 0 : i32
    %cond3A_425 = arith.cmpi ne, %convert_element_type3A, %cond3A : i32
    scf.if %cond3A_425 {
      %broadcast_in_dim3A_446 = arith.constant 0.000000e+00 : f32
      %broadcast_in_dim3A_447 = vector.broadcast %broadcast_in_dim3A_446 : f32 to vector<8x128xf32>
      %swap3A_448 = arith.constant 0 : index
      %swap3A_449 = arith.constant 0 : index
      %swap3A_450 = vector.load %arg12[%swap3A_448, %swap3A_449] : memref<8x128xf32, #tpu.memory_space<vmem>>, vector<8x128xf32>
      tpu.vector_store %arg12[%swap3A_448, %swap3A_449], %broadcast_in_dim3A_447 {strides = array<i32>} : memref<8x128xf32, #tpu.memory_space<vmem>>, vector<8x128xf32>,
    } else {
    }
    %get3A_426 = arith.constant 0 : index
    %get3A_427 = arith.constant 0 : index
    %get3A_428 = vector.load %arg12[%get3A_426, %get3A_427] : memref<8x128xf32, #tpu.memory_space<vmem>>, vector<1x128xf32>
    %reduce_sum3A = arith.constant dense<0.000000e+00> : vector<128xf32>
    %reduce_sum3A_429 = vector.multi_reduction <add>, %add3A_421, %reduce_sum3A [0] : vector<200x128xf32> to vector<128xf32>
    %broadcast_in_dim3A_430 = vector.shape_cast %reduce_sum3A_429 : vector<128xf32> to vector<1x128xf32>
    %add3A_431 = arith.addf %get3A_428, %broadcast_in_dim3A_430 : vector<1x128xf32>
    %swap3A_432 = arith.constant 0 : index
    %swap3A_433 = arith.constant 0 : index
    %swap3A_434 = vector.load %arg12[%swap3A_432, %swap3A_433] : memref<8x128xf32, #tpu.memory_space<vmem>>, vector<1x128xf32>
    tpu.vector_store %arg12[%swap3A_432, %swap3A_433], %add3A_431 {strides = array<i32>} : memref<8x128xf32, #tpu.memory_space<vmem>>, vector<1x128xf32>,
    %get3A_435 = arith.constant 1 : index
    %get3A_436 = arith.constant 0 : index
    %get3A_437 = vector.load %arg12[%get3A_435, %get3A_436] : memref<8x128xf32, #tpu.memory_space<vmem>>, vector<1x128xf32>
    %mul3A_438 = arith.mulf %add3A_421, %add3A_421 : vector<200x128xf32>
    %reduce_sum3A_439 = arith.constant dense<0.000000e+00> : vector<128xf32>
    %reduce_sum3A_440 = vector.multi_reduction <add>, %mul3A_438, %reduce_sum3A_439 [0] : vector<200x128xf32> to vector<128xf32>
    %broadcast_in_dim3A_441 = vector.shape_cast %reduce_sum3A_440 : vector<128xf32> to vector<1x128xf32>
    %add3A_442 = arith.addf %get3A_437, %broadcast_in_dim3A_441 : vector<1x128xf32>
    %swap3A_443 = arith.constant 1 : index
    %swap3A_444 = arith.constant 0 : index
    %swap3A_445 = vector.load %arg12[%swap3A_443, %swap3A_444] : memref<8x128xf32, #tpu.memory_space<vmem>>, vector<1x128xf32>
    tpu.vector_store %arg12[%swap3A_443, %swap3A_444], %add3A_442 {strides = array<i32>} : memref<8x128xf32, #tpu.memory_space<vmem>>, vector<1x128xf32>,
    return
  }
  func.func @transform_0(%arg0: i32) -> (i32, i32, i32) {
    %c0_i32 = arith.constant 0 : i32
    %c0_i32_0 = arith.constant 0 : i32
    %c0_i32_1 = arith.constant 0 : i32
    return %arg0, %c0_i32, %c0_i32_0 : i32, i32, i32
  }
  func.func @transform_1(%arg0: i32) -> (i32, i32) {
    %c0_i32 = arith.constant 0 : i32
    %c0_i32_0 = arith.constant 0 : i32
    return %arg0, %c0_i32 : i32, i32
  }
  func.func @transform_2(%arg0: i32) -> (i32, i32) {
    %c0_i32 = arith.constant 0 : i32
    %c0_i32_0 = arith.constant 0 : i32
    return %arg0, %c0_i32 : i32, i32
  }
  func.func @transform_3(%arg0: i32) -> (i32, i32) {
    %c0_i32 = arith.constant 0 : i32
    %c0_i32_0 = arith.constant 0 : i32
    return %arg0, %c0_i32 : i32, i32
  }
  func.func @transform_4(%arg0: i32) -> (i32, i32) {
    %c0_i32 = arith.constant 0 : i32
    %c0_i32_0 = arith.constant 0 : i32
    return %arg0, %c0_i32 : i32, i32
  }
  func.func @transform_5(%arg0: i32) -> (i32, i32) {
    %c0_i32 = arith.constant 0 : i32
    %c0_i32_0 = arith.constant 0 : i32
    %c0_i32_1 = arith.constant 0 : i32
    return %c0_i32, %c0_i32_0 : i32, i32
  }
  func.func @transform_6(%arg0: i32) -> (i32, i32) {
    %c0_i32 = arith.constant 0 : i32
    %c0_i32_0 = arith.constant 0 : i32
    %c0_i32_1 = arith.constant 0 : i32
    return %c0_i32, %c0_i32_0 : i32, i32
  }
  func.func @transform_7(%arg0: i32) -> (i32, i32, i32) {
    %c0_i32 = arith.constant 0 : i32
    %c0_i32_0 = arith.constant 0 : i32
    %c0_i32_1 = arith.constant 0 : i32
    %c0_i32_2 = arith.constant 0 : i32
    return %c0_i32, %c0_i32_0, %c0_i32_1 : i32, i32, i32
  }
  func.func @transform_8(%arg0: i32) -> (i32, i32, i32) {
    %c0_i32 = arith.constant 0 : i32
    %c0_i32_0 = arith.constant 0 : i32
    %c0_i32_1 = arith.constant 0 : i32
    %c0_i32_2 = arith.constant 0 : i32
    return %c0_i32, %c0_i32_0, %c0_i32_1 : i32, i32, i32
  }
  func.func @transform_9(%arg0: i32) -> (i32, i32) {
    %c0_i32 = arith.constant 0 : i32
    %c0_i32_0 = arith.constant 0 : i32
    %c0_i32_1 = arith.constant 0 : i32
    return %c0_i32, %c0_i32_0 : i32, i32
  }
  func.func @transform_10(%arg0: i32) -> (i32, i32) {
    %c0_i32 = arith.constant 0 : i32
    %c0_i32_0 = arith.constant 0 : i32
    return %arg0, %c0_i32 : i32, i32
  }
  func.func @transform_11(%arg0: i32) -> (i32, i32) {
    %c0_i32 = arith.constant 0 : i32
    %c0_i32_0 = arith.constant 0 : i32
    %c0_i32_1 = arith.constant 0 : i32
    return %c0_i32, %c0_i32_0 : i32, i32
  }
}

</mosaic_0001>

<sc_bundles>
// kernel: kernel.5.cloned.1.call-start
scs
__scs_entry_jumppad:
0x0: {  	(pc) =	sbr.rel $0x88, $3  }
0x1: {  	(tag) =	ssettag $0x0;
	lr =	simm.s32 $0x1  }
0x2: {  	[smem:$0x3F97] =	sst lr;
	_ =	strace $0xD0000000  }
0x3: {  	_ = 	snop  }
0x4: {  	_ = 	snop  }
0x5: {  	_ = 	snop  }
0x6: {  	_ = 	snop  }
0x7: {  	_ = 	snop  }
__scs_overlays_trampoline_lowered:
0x8: {  	[smem:$0x3FA6] =	sst s0  }
0x9: {  	[smem:$0x3FA7] =	sst s1  }
0xa: {  	[smem:$0x3FA8] =	sst s2  }
0xb: {  	[smem:$0x3FA9] =	sst s3  }
0xc: {  	[smem:$0x3FAA] =	sst s4  }
0xd: {  	[smem:$0x3FAB] =	sst s5  }
0xe: {  	[smem:$0x3FAC] =	sst s6  }
0xf: {  	[smem:$0x3FAD] =	sst s7  }
0x10: {  	[smem:$0x3FAE] =	sst s8  }
0x11: {  	[smem:$0x3FAF] =	sst s9;
	s0 =	simm.s32 @!p0 $0x0  }
0x12: {  	s1 =	sld [smem:$0x3F95];
	s0 =	simm.s32 @p0 $0x1  }
0x13: {  	[smem:$0x3FB0] =	sst s0;
	s0 =	simm.s32 @!p1 $0x0  }
0x14: {  	s2 =	sld [smem:$0x3F94];
	s0 =	simm.s32 @p1 $0x1  }
0x15: {  	[smem:$0x3FB1] =	sst s0;
	s0 =	simm.s32 @!p2 $0x0  }
0x16: {  	s3 =	sld [smem:$0x3FDB];
	s0 =	simm.s32 @p2 $0x1  }
0x17: {  	s4 =	simm.s32 $0x1BF5;
	[smem:$0x3FB3] =	sst s0  }
0x18: {  	s0 =	sld [smem:$0x3F96];
	_ =	swait.ge [sflag:s4], $0x0  }
0x19: {  	s7 =	sld [smem:$0x3F97]  }
0x1a: {  	s8 =	sadd.s32 $0xFFFFE003, lr  }
0x1b: {  	s9 =	sadd.s32 $0xFFFFFEF7, lr;
	s5 =	simm.s32 $0xFFFFFFFF;
	p2 =	slt.u32 s8, $0xFFFFF086  }
0x1c: {  	p1 =	slt.u32 s9, $0xF7A;
	s5 =	simm.s32 @!p2 $0x0  }
0x1d: {  	s5 =	simm.s32 @p1 $0x1;
	p0 =	seq.s32 s7, s2  }
0x1e: {  	s7 =	smul.u32 @!p0 $0xF7A, s2;
	p2 =	seq.s32 @!p0 s5, $0x0  }
0x1f: {  	s9 =	smul.u32 $0xF7A, s1;
	s8 =	simm.s32 @!p0 $0x1BF5;
	p2 =	por !p2, p0  }
0x20: {  	[sflag:s8] =	ssyncset.s32 @!p0 $0xFFFFF086;
	s6 =	sadd.s32 @!p0 s3, s7;
	s7 =	simm.s32 @!p0 $0x108  }
0x21: {  	s3 =	sadd.s32 s3, s9;
	s6 =	sadd.s32 @!p0 $0x88, s6;
	s7 =	simm.s32 @p2 $0x1082  }
0x22: {  	[simem:s7], [sflag:s8] =	dma.local @!p0 [hbm:s6], $0xF7A  }
0x23: {  	s9 =	sor.u32 $0xD0000000, s2;
	s6 =	simm.s32 $0x108;
	_ =	swait.ge @!p0 [sflag:s8], $0x0  }
0x24: {  	s3 =	sadd.s32 $0x88, s3;
	s6 =	simm.s32 @!p1 $0x1082;
	[sflag:s4] =	ssyncset.s32 $0xFFFFF086  }
0x25: {  	[simem:s6], [sflag:s4] =	dma.local [hbm:s3], $0xF7A  }
0x26: {  	[smem:$0x3F97] =	sst s1;
	(tag) =	ssettag s2;
	_ =	strace s9  }
0x27: {  	s1 =	sld [smem:$0x3FA7]  }
0x28: {  	s2 =	sld [smem:$0x3FA8]  }
0x29: {  	s4 =	sld [smem:$0x3FAA]  }
0x2a: {  	p0 =	seq.s32 s5, $0x0;
	s5 =	sld [smem:$0x3FAB]  }
0x2b: {  	s6 =	sld [smem:$0x3FAC]  }
0x2c: {  	s7 =	sld [smem:$0x3FAD]  }
0x2d: {  	s3 =	simm.s32 $0x108;
	s8 =	sld [smem:$0x3FAE]  }
0x2e: {  	s3 =	simm.s32 @!p0 $0x1082;
	s9 =	sld [smem:$0x3FAF]  }
0x2f: {  	lr =	sadd.s32 s0, s3;
	s0 =	sld [smem:$0x3FA6]  }
0x30: {  	s3 =	sld [smem:$0x3FA9]  }
0x31: {  	[smem:$0x3FB2] =	sst s10  }
0x32: {  	s10 =	sld [smem:$0x3FB0];
	_ =	sdelay $0x3  }
0x33: {  	p0 =	seq.s32 s10, $0x1;
	s10 =	sld [smem:$0x3FB2];
	_ =	sdelay $0x3  }
0x34: {  	[smem:$0x3FB2] =	sst s10  }
0x35: {  	s10 =	sld [smem:$0x3FB1];
	_ =	sdelay $0x3  }
0x36: {  	p1 =	seq.s32 s10, $0x1;
	s10 =	sld [smem:$0x3FB2];
	_ =	sdelay $0x3  }
0x37: {  	[smem:$0x3FB2] =	sst s10  }
0x38: {  	s10 =	sld [smem:$0x3FB3]  }
0x39: {  	_ = 	snop;
	(pc) =	sbr.ind lr, $3  }
0x3a: {  	_ = 	snop  }
0x3b: {  	_ = 	snop  }
0x3c: {  	p2 =	seq.s32 s10, $0x1;
	s10 =	sld [smem:$0x3FB2]  }
0x3d: {  	_ =	shalt  }
0x3e: {  	_ =	shalt  }
0x3f: {  	_ =	shalt  }
0x40: {  	_ =	shalt  }
0x41: {  	_ =	shalt  }
0x42: {  	_ =	shalt  }
0x43: {  	_ =	shalt  }
0x44: {  	_ =	shalt  }
0x45: {  	_ =	shalt  }
0x46: {  	_ =	shalt  }
0x47: {  	_ =	shalt  }
0x48: {  	_ =	shalt  }
0x49: {  	_ =	shalt  }
0x4a: {  	_ =	shalt  }
0x4b: {  	_ =	shalt  }
0x4c: {  	_ =	shalt  }
0x4d: {  	_ =	shalt  }
0x4e: {  	_ =	shalt  }
0x4f: {  	_ =	shalt  }
0x50: {  	_ =	shalt  }
0x51: {  	_ =	shalt  }
0x52: {  	_ =	shalt  }
0x53: {  	_ =	shalt  }
0x54: {  	_ =	shalt  }
0x55: {  	_ =	shalt  }
0x56: {  	_ =	shalt  }
0x57: {  	_ =	shalt  }
0x58: {  	_ =	shalt  }
0x59: {  	_ =	shalt  }
0x5a: {  	_ =	shalt  }
0x5b: {  	_ =	shalt  }
0x5c: {  	_ =	shalt  }
0x5d: {  	_ =	shalt  }
0x5e: {  	_ =	shalt  }
0x5f: {  	_ =	shalt  }
0x60: {  	_ =	shalt  }
0x61: {  	_ =	shalt  }
0x62: {  	_ =	shalt  }
0x63: {  	_ =	shalt  }
0x64: {  	_ =	shalt  }
0x65: {  	_ =	shalt  }
0x66: {  	_ =	shalt  }
0x67: {  	_ =	shalt  }
0x68: {  	_ =	shalt  }
0x69: {  	_ =	shalt  }
0x6a: {  	_ =	shalt  }
0x6b: {  	_ =	shalt  }
0x6c: {  	_ =	shalt  }
0x6d: {  	_ =	shalt  }
0x6e: {  	_ =	shalt  }
0x6f: {  	_ =	shalt  }
0x70: {  	_ =	shalt  }
0x71: {  	_ =	shalt  }
0x72: {  	_ =	shalt  }
0x73: {  	_ =	shalt  }
0x74: {  	_ =	shalt  }
0x75: {  	_ =	shalt  }
0x76: {  	_ =	shalt  }
0x77: {  	_ =	shalt  }
0x78: {  	_ =	shalt  }
0x79: {  	_ =	shalt  }
0x7a: {  	_ =	shalt  }
0x7b: {  	_ =	shalt  }
0x7c: {  	_ =	shalt  }
0x7d: {  	_ =	shalt  }
0x7e: {  	_ =	shalt  }
0x7f: {  	_ =	shalt  }
0x80: {  	_ =	shalt  }
0x81: {  	_ =	shalt  }
0x82: {  	_ =	shalt  }
0x83: {  	_ =	shalt  }
0x84: {  	_ =	shalt  }
0x85: {  	_ =	shalt  }
0x86: {  	_ =	shalt  }
0x87: {  	_ =	shalt  }
.Lfunc_end0:
.L_simem_size_0:
called_computation_lowered:
.L_overlay_start_0:
0x88: {  	s2 =	sld [smem:$0x3FD9]  }
0x89: {  	s3 =	sld [smem:$0x3FFE];
	_ =	sdelay $0x1  }
0x8a: {  	s1 =	srdreg.scid  }
0x8b: {  	s0 =	sand.u32 $0x1, s1  }
0x8c: {  	s17 =	sshll.u32 s0, $0xA;
	s2 =	sadd.s32 s3, s2  }
0x8d: {  	s2 =	sadd.s32 s2, s17  }
0x8e: {  	[smem:$0x3FBE] =	sst s2  }
0x8f: {  	_ = 	snop  }
0x90: {  	s2 =	sld [smem:$0x3FC7];
	(tm) =	ssettm $0x1  }
0x91: {  	s18 =	sld [smem:$0x3FFB];
	_ =	sdelay $0x3  }
0x92: {  	_ =	strace s18  }
0x93: {  	s3 =	sld [smem:$0x3FFC];
	_ =	sdelay $0x3  }
0x94: {  	_ =	strace s3  }
0x95: {  	s3 =	sld [smem:$0x3FFD];
	_ =	sdelay $0x3  }
0x96: {  	_ =	strace s3  }
0x97: {  	_ =	strace $0x8FFFFFFF  }
0x98: {  	s19 =	sld [smem:$0x3FDB];
	_ =	sdelay $0x1  }
0x99: {  	s4 =	simm.s32 $_scs_section_size  }
0x9a: {  	s5 =	simm.s32 $_size__tile_overlayer_lowered;
	s6 =	simm.s32 $_tile_overlayer_lowered  }
0x9b: {  	s22 =	simm.s32 $0x1BFF;
	s21 =	sshll.u32 s6, $0x1;
	s3 =	sadd.s32 s4, s19  }
0x9c: {  	s7 =	simm.s32 $0x0;
	s20 =	sshll.u32 s5, $0x1;
	s5 =	sadd.s32 s21, s3  }
0x9d: {  	[timem:s7], [sflag:s22] =	dma.local [hbm:s5], s20  }
0x9e: {  	_ =	swait.ge [sflag:s22], s20  }
0x9f: {  	s4 =	ssub.s32 $0x0, s20;
	[sflag:s22] =	ssyncset.done $0x0  }
0xa0: {  	[sflag:s22] =	ssyncadd.s32 s4;
	_ =	sdelay $0x1  }
0xa1: {  	s23 =	simm.s32 $0x1B8B  }
0xa2: {  	_ =	swait.ge [sflag:s23], $0x1  }
0xa3: {  	[sflag:s23] =	ssyncset.done $0x0  }
0xa4: {  	s25 =	simm.s32 $0x1B8E;
	s24 =	sld [smem:$0x3FFE];
	[sflag:s23] =	ssyncadd.s32 $0xFFFFFFFF  }
0xa5: {  	s26 =	simm.s32 $execute0_lowered;
	[smem:$0x3FD2] =	sst s25  }
0xa6: {  	s5 =	sshll.u32 s26, $0x1;
	_ =	strace $0x80000046;
	[dreg:$0x1] =	wrdreg $0xFFFFFFFF  }
0xa7: {  	s28 =	simm.s32 $_size_execute0_lowered;
	s3 =	sadd.s32 s3, s5;
	[dreg:$0x0] =	wrdreg $0x0  }
0xa8: {  	s5 =	sshll.u32 s28, $0x1;
	[dreg:$0x2] =	wrdreg s3  }
0xa9: {  	[dreg:$0x3] =	wrdreg s5  }
0xaa: {  	[dreg:$0x4] =	wrdreg $0xC0  }
0xab: {  	_ =	task [dreg:s7], $0x5FFFF  }
0xac: {  	[dreg:$0x1] =	wrdreg $0xFFFFFFFF  }
0xad: {  	[dreg:$0x0] =	wrdreg $0x60  }
0xae: {  	[dreg:$0x2] =	wrdreg s24  }
0xaf: {  	[dreg:$0x3] =	wrdreg s2  }
0xb0: {  	[dreg:$0x4] =	wrdreg $0x9  }
0xb1: {  	_ =	task.clear_ibuf [dreg:s7], $0x5FFFF;
	_ =	strace $0x90000046  }
0xb2: {  	s29 =	simm.s32 $0x9;
	_ =	strace $0x80000048  }
0xb3: {  	_ =	swait.ge [sflag:s29], $0x1  }
0xb4: {  	[sflag:s29] =	ssyncadd.s32 $0xFFFFFFFF  }
0xb5: {  	_ =	strace $0x90000048  }
0xb6: {  	_ =	sfence  }
0xb7: {  	s30 =	sld [smem:$0x0];
	_ =	sdelay $0x2  }
0xb8: {  	s31 =	sshll.u32 s1, $0xD;
	s1 =	sshrl.u32 s1, $0x2  }
0xb9: {  	s3 =	sand.u32 $0x4000, s31;
	s1 =	sadd.s32 s1, s30  }
0xba: {  	s0 =	sor.u32 s3, s0;
	s1 =	sshll.u32 s1, $0x11  }
0xbb: {  	s0 =	sor.u32 s1, s0  }
0xbc: {  	s0 =	sadd.s32 $0x8F2B, s0  }
0xbd: {  	[sflag:s0] =	ssyncadd.remote.s32 $0x1  }
0xbe: {  	_ =	sfence.sel $0xFFFF  }
0xbf: {  	[dreg:$0x0] =	wrdreg $0xFFFFFFFF;
	(pc) =	sbr.abs _section_cstart, $3  }
0xc0: {  	[dreg:$0x1] =	wrdreg $0xFFFFFFFF  }
0xc1: {  	_ =	task.clear_ibuf [dreg:s7], $0x2FFFF;
	_ =	strace $0x9FFFFFFF  }
0xc2: {  	(tm) =	ssettm $0x7FFFFFFF  }
0xc3: {  	_ =	shalt  }
tec
execute0_lowered:
.L_overlay_start_1:
0x0: {  	(tag) =	ssettag $0x1  }
0x1: {  	s1 =	srdreg.scid;
	s0 =	stileid.u32  }
0x2: {  	s7 =	rddreg [dreg:$0x0];
	s17 =	simm.s32 $0x3B80;
	s18 =	simm.s32 $0x1  }
0x3: {  	s19 =	simm.s32 $0xC600;
	s20 =	simm.s32 $0xC680;
	s21 =	simm.s32 $0xC700  }
0x4: {  	s28 =	simm.s32 $0x4;
	s29 =	simm.s32 $0x0;
	s6 =	smul.u32 $0x4E20, s0  }
0x5: {  	s1 =	sand.u32 $0x1, s1;
	s2 =	sshll.u32 s0, $0x1;
	s10 =	smul.u32 $0x4E200, s0  }
0x6: {  	s22 =	sadd.s32 $0x1A00, s7;
	s5 =	sadd.s32 $0x1400, s7;
	s12 =	sadd.s32 $0xBE00, s7  }
0x7: {  	s13 =	sadd.s32 $0x15C00, s7;
	s14 =	sadd.s32 $0x1FA00, s7;
	s8 =	smul.u32 $0x2710, s1  }
0x8: {  	s3 =	sor.u32 s1, s2;
	s23 =	ssub.s32 $0x2, s1;
	s1 =	smul.u32 $0x27100, s1  }
0x9: {  	s2 =	rddreg [dreg:$0x1];
	s4 =	smul.u32 $0x2710, s3;
	s3 =	simm.s32 $0x0  }
0xa: {  	s10 =	sadd.s32 s10, s7;
	s16 =	sshrl.u32 s23, $0x1;
	[smem:$0x7FF] =	sst s3  }
0xb: {  	s8 =	sadd.s32 s8, s6;
	s6 =	sadd.s32 $0xE00, s7;
	s16 =	ssub.s32 s23, s16  }
0xc: {  	s1 =	sadd.s32 s1, s10;
	s23 =	simm.s32 $0xC780;
	s4 =	sshrl.u32 s4, $0x3  }
0xd: {  	_ =	strace $0x80000047;
	[dreg:$0x8] =	wrdreg s22;
	s11 =	sadd.s32 $0x28, s8  }
0xe: {  	s26 =	sshrl.u32 s8, $0x3;
	s8 =	smax.u32 s16, $0x1;
	s16 =	simm.s32 $0x2780  }
0xf: {  	s22 =	simm.s32 $0x2;
	s9 =	sadd.s32 s4, s7;
	s11 =	sshrl.u32 s11, $0x3  }
0x10: {  	s30 =	sadd.s32 s26, s14;
	s31 =	sadd.s32 s26, s13;
	s10 =	sadd.s32 s26, s12  }
0x11: {  	s26 =	simm.s32 $0x3;
	s15 =	sadd.s32 s11, s12;
	[dreg:$0x6] =	wrdreg s30  }
0x12: {  	s24 =	sadd.s32 s11, s13;
	s7 =	sadd.s32 $0x2000, s9;
	[dreg:$0x7] =	wrdreg s31  }
0x13: {  	s25 =	sadd.s32 s11, s14;
	s9 =	sadd.s32 $0x29A80, s1;
	[dreg:$0x3] =	wrdreg s15  }
0x14: {  	s11 =	simm.s32 $0x5;
	s12 =	simm.s32 $0x4F80;
	[dreg:$0x4] =	wrdreg s24  }
0x15: {  	s13 =	simm.s32 $0x7700;
	s14 =	simm.s32 $0x9E80;
	[dreg:$0x5] =	wrdreg s25  }
0x16: {  	s15 =	simm.s32 $0x28;
	s24 =	simm.s32 $0xC800;
	s25 =	simm.s32 $0xC880  }
.LBB2_1:
0x17: {  	[tilespmem:s3], [sflag:$0x5] =	stream.linear.gather [hbm4b:s7+s3], $0x2710, $0x38;
	[tilespmem:$0xC900] =	vst v63  }
0x18: {  	_ =	swait.ge [sflag:s11], $0x2710  }
0x19: {  	[sflag:s11] =	ssyncset.done $0x0  }
0x1a: {  	s0 =	rddreg [dreg:$0x8];
	[sflag:s11] =	ssyncadd.s32 $0xFFFFD8F0  }
0x1b: {  	[tilespmem:s12], [sflag:$0x5] =	stream.linear.gather [hbm4b:s0+s3], $0x2780, $0x38;
	[tilespmem:$0xC900] =	vst v63  }
0x1c: {  	_ =	swait.ge [sflag:s11], $0x2780  }
0x1d: {  	[sflag:s11] =	ssyncset.done $0x0  }
0x1e: {  	[sflag:s11] =	ssyncadd.s32 $0xFFFFD880  }
0x1f: {  	[tilespmem:s13], [sflag:$0x5] =	stream.linear.gather [hbm4b:s5+s3], $0x2780, $0x38;
	[tilespmem:$0xC900] =	vst v63  }
0x20: {  	_ =	swait.ge [sflag:s11], $0x2780  }
0x21: {  	[sflag:s11] =	ssyncset.done $0x0  }
0x22: {  	[sflag:s11] =	ssyncadd.s32 $0xFFFFD880  }
0x23: {  	[tilespmem:s14], [sflag:$0x5] =	stream.linear.gather [hbm4b:s6+s3], $0x2780, $0x38;
	[tilespmem:$0xC900] =	vst v63  }
0x24: {  	_ =	swait.ge [sflag:s11], $0x2780  }
0x25: {  	s30 =	smov.u32 s9;
	[sflag:s11] =	ssyncset.done $0x0  }
0x26: {  	s31 =	simm.s32 $0x28;
	s1 =	simm.s32 $0x0;
	[sflag:s11] =	ssyncadd.s32 $0xFFFFD880  }
.LBB2_2:
0x27: {  	p0 =	seq.s32 s1, $0x0  }
0x28: {  	s0 =	simm.s32 @!p0 $0x3  }
0x29: {  	_ =	swait.ge @!p0 [sflag:s0], $0x1400  }
0x2a: {  	[sflag:s0] =	ssyncset.done @!p0 $0x0  }
0x2b: {  	[sflag:s0] =	ssyncadd.s32 @!p0 $0xFFFFEC00  }
0x2c: {  	_ =	swait.ge @!p0 [sflag:s0], $0x28  }
0x2d: {  	[sflag:s0] =	ssyncset.done @!p0 $0x0  }
0x2e: {  	[sflag:s0] =	ssyncadd.s32 @!p0 $0xFFFFFFD8  }
0x2f: {  	_ =	swait.ge @!p0 [sflag:s0], $0x28  }
0x30: {  	[sflag:s0] =	ssyncset.done @!p0 $0x0  }
0x31: {  	[sflag:s0] =	ssyncadd.s32 @!p0 $0xFFFFFFD8  }
0x32: {  	_ =	swait.ge @!p0 [sflag:s0], $0x28  }
0x33: {  	[sflag:s0] =	ssyncset.done @!p0 $0x0  }
0x34: {  	[sflag:s0] =	ssyncadd.s32 @!p0 $0xFFFFFFD8;
	s0 =	simm.s32 @!p0 $0x4  }
0x35: {  	_ =	swait.ge @!p0 [sflag:s0], $0x1400  }
0x36: {  	[sflag:s0] =	ssyncset.done @!p0 $0x0  }
0x37: {  	[sflag:s0] =	ssyncadd.s32 @!p0 $0xFFFFEC00  }
0x38: {  	_ =	swait.ge @!p0 [sflag:s0], $0x28  }
0x39: {  	[sflag:s0] =	ssyncset.done @!p0 $0x0  }
0x3a: {  	[sflag:s0] =	ssyncadd.s32 @!p0 $0xFFFFFFD8  }
0x3b: {  	_ =	swait.ge @!p0 [sflag:s0], $0x28  }
0x3c: {  	[sflag:s0] =	ssyncset.done @!p0 $0x0  }
0x3d: {  	[sflag:s0] =	ssyncadd.s32 @!p0 $0xFFFFFFD8  }
0x3e: {  	_ =	swait.ge @!p0 [sflag:s0], $0x28  }
0x3f: {  	[sflag:s0] =	ssyncset.done @!p0 $0x0  }
0x40: {  	s4 =	sadd.s32 $0xFFFFFFD8, s31;
	[sflag:s0] =	ssyncadd.s32 @!p0 $0xFFFFFFD8  }
0x41: {  	[tilespmem:s16], [sflag:$0x1] =	stream.indirect.gather [hbm4b:s2+s15], $0x80, s4, s15, $0xb8;
	[tilespmem:$0xC900] =	vst v63  }
0x42: {  	_ = 	snop  }
0x43: {  	[tilespmem:s17], [sflag:$0x2] =	stream.indirect.gather [hbm4b:s2+s15], $0x80, s31, s15, $0xb8;
	[tilespmem:$0xC900] =	vst v63  }
0x44: {  	v0 =	vld [tilespmem:s31+$0xFFFFFFD8];
	_ =	sdelay $0x4  }
0x45: {  	vm0 =	vlt.s32 v0, $0x270F  }
0x46: {  	v0 =	vnsel vm0, $0x270F, v0;
	_ =	sdelay $0x4  }
0x47: {  	v1 =	vld.idx.msk [tilespmem:v0+s12+$0x0], $0xffff;
	_ =	sdelay $0x4  }
0x48: {  	[tilespmem:$0xC600] =	vst v1  }
0x49: {  	v1 =	vld.idx.msk [tilespmem:v0+s13+$0x0], $0xffff;
	_ =	sdelay $0x4  }
0x4a: {  	[tilespmem:$0xC680] =	vst v1  }
0x4b: {  	v0 =	vld.idx.msk [tilespmem:v0+s14+$0x0], $0xffff;
	_ =	sdelay $0x4  }
0x4c: {  	[tilespmem:$0xC700] =	vst v0  }
0x4d: {  	v0 =	vld [tilespmem:s31+$0xFFFFFFE8];
	_ =	sdelay $0x4  }
0x4e: {  	vm11 =	vlt.s32 v0, $0x270F  }
0x4f: {  	v0 =	vnsel vm11, $0x270F, v0;
	_ =	sdelay $0x4  }
0x50: {  	v1 =	vld.idx.msk [tilespmem:v0+s12+$0x0], $0xffff;
	_ =	sdelay $0x4  }
0x51: {  	[tilespmem:$0xC610] =	vst v1  }
0x52: {  	v1 =	vld.idx.msk [tilespmem:v0+s13+$0x0], $0xffff;
	_ =	sdelay $0x4  }
0x53: {  	[tilespmem:$0xC690] =	vst v1  }
0x54: {  	v0 =	vld.idx.msk [tilespmem:v0+s14+$0x0], $0xffff;
	_ =	sdelay $0x4  }
0x55: {  	[tilespmem:$0xC710] =	vst v0  }
0x56: {  	v0 =	vld [tilespmem:s31+$0xFFFFFFF8];
	_ =	sdelay $0x4  }
0x57: {  	vm12 =	vlt.s32 v0, $0x270F  }
0x58: {  	v0 =	vnsel vm12, $0x270F, v0;
	_ =	sdelay $0x4  }
0x59: {  	v1 =	vld.idx.msk [tilespmem:v0+s12+$0x0], $0xffff;
	_ =	sdelay $0x4  }
0x5a: {  	[tilespmem:$0xC620] =	vst v1  }
0x5b: {  	v1 =	vld.idx.msk [tilespmem:v0+s13+$0x0], $0xffff;
	_ =	sdelay $0x4  }
0x5c: {  	[tilespmem:$0xC6A0] =	vst v1  }
0x5d: {  	v0 =	vld.idx.msk [tilespmem:v0+s14+$0x0], $0xffff;
	_ =	sdelay $0x4  }
0x5e: {  	[tilespmem:$0xC720] =	vst v0  }
0x5f: {  	v0 =	vld [tilespmem:s31+$0x0];
	_ =	sdelay $0x4  }
0x60: {  	vm13 =	vlt.s32 v0, $0x270F  }
0x61: {  	v0 =	vnsel vm13, $0x270F, v0;
	_ =	sdelay $0x4  }
0x62: {  	v1 =	vld.idx.msk [tilespmem:v0+s12+$0x0], $0xffff;
	_ =	sdelay $0x4  }
0x63: {  	[tilespmem:$0xC780] =	vst v1  }
0x64: {  	v1 =	vld.idx.msk [tilespmem:v0+s13+$0x0], $0xffff;
	_ =	sdelay $0x4  }
0x65: {  	[tilespmem:$0xC800] =	vst v1  }
0x66: {  	v0 =	vld.idx.msk [tilespmem:v0+s14+$0x0], $0xffff;
	_ =	sdelay $0x4  }
0x67: {  	[tilespmem:$0xC880] =	vst v0  }
0x68: {  	v0 =	vld [tilespmem:s31+$0x10];
	_ =	sdelay $0x4  }
0x69: {  	vm14 =	vlt.s32 v0, $0x270F  }
0x6a: {  	v0 =	vnsel vm14, $0x270F, v0;
	_ =	sdelay $0x4  }
0x6b: {  	v1 =	vld.idx.msk [tilespmem:v0+s12+$0x0], $0xffff;
	_ =	sdelay $0x4  }
0x6c: {  	[tilespmem:$0xC790] =	vst v1  }
0x6d: {  	v1 =	vld.idx.msk [tilespmem:v0+s13+$0x0], $0xffff;
	_ =	sdelay $0x4  }
0x6e: {  	[tilespmem:$0xC810] =	vst v1  }
0x6f: {  	v0 =	vld.idx.msk [tilespmem:v0+s14+$0x0], $0xffff;
	_ =	sdelay $0x4  }
0x70: {  	[tilespmem:$0xC890] =	vst v0  }
0x71: {  	v0 =	vld [tilespmem:s31+$0x20];
	_ =	sdelay $0x4  }
0x72: {  	vm15 =	vlt.s32 v0, $0x270F  }
0x73: {  	v0 =	vnsel vm15, $0x270F, v0;
	_ =	sdelay $0x4  }
0x74: {  	v1 =	vld.idx.msk [tilespmem:v0+s12+$0x0], $0xffff;
	_ =	sdelay $0x4  }
0x75: {  	[tilespmem:$0xC7A0] =	vst v1  }
0x76: {  	v1 =	vld.idx.msk [tilespmem:v0+s13+$0x0], $0xffff;
	_ =	sdelay $0x4  }
0x77: {  	[tilespmem:$0xC820] =	vst v1  }
0x78: {  	v0 =	vld.idx.msk [tilespmem:v0+s14+$0x0], $0xffff;
	_ =	sdelay $0x4  }
0x79: {  	[tilespmem:$0xC8A0] =	vst v0  }
0x7a: {  	_ =	swait.ge [sflag:s18], $0x1400  }
0x7b: {  	[sflag:s18] =	ssyncset.done $0x0  }
0x7c: {  	s4 =	sadd.s32 $0xFFFFFD80, s30;
	[sflag:s18] =	ssyncadd.s32 $0xFFFFEC00  }
0x7d: {  	[hbm4b:s4+s3] =	stream.linear.scatter [tilespmem:s16], [sflag:$0x3], $0x1400, $0x38;
	[tilespmem:$0xC900] =	vst v63  }
0x7e: {  	s0 =	sadd.s32 s1, s10;
	s4 =	rddreg [dreg:$0x7]  }
0x7f: {  	[hbm4b:s0+s3] =	stream.linear.scatter [tilespmem:s19], [sflag:$0x3], $0x28, $0x38;
	[tilespmem:$0xC900] =	vst v63  }
0x80: {  	s4 =	sadd.s32 s1, s4;
	s0 =	rddreg [dreg:$0x6]  }
0x81: {  	[hbm4b:s4+s3] =	stream.linear.scatter [tilespmem:s20], [sflag:$0x3], $0x28, $0x38;
	[tilespmem:$0xC900] =	vst v63  }
0x82: {  	s0 =	sadd.s32 s1, s0  }
0x83: {  	[hbm4b:s0+s3] =	stream.linear.scatter [tilespmem:s21], [sflag:$0x3], $0x28, $0x38;
	[tilespmem:$0xC900] =	vst v63  }
0x84: {  	_ =	swait.ge [sflag:s22], $0x1400  }
0x85: {  	[sflag:s22] =	ssyncset.done $0x0  }
0x86: {  	s4 =	rddreg [dreg:$0x3];
	[sflag:s22] =	ssyncadd.s32 $0xFFFFEC00  }
0x87: {  	[hbm4b:s30+s3] =	stream.linear.scatter [tilespmem:s17], [sflag:$0x4], $0x1400, $0x38;
	[tilespmem:$0xC900] =	vst v63  }
0x88: {  	s0 =	sadd.s32 s1, s4;
	s4 =	rddreg [dreg:$0x4]  }
0x89: {  	[hbm4b:s0+s3] =	stream.linear.scatter [tilespmem:s23], [sflag:$0x4], $0x28, $0x38;
	[tilespmem:$0xC900] =	vst v63  }
0x8a: {  	s0 =	rddreg [dreg:$0x5]  }
0x8b: {  	s4 =	sadd.s32 s1, s4;
	s0 =	sadd.s32 s1, s0;
	s1 =	sadd.s32 $0xA, s1  }
0x8c: {  	p0 =	sne.s32 s1, $0x4E2  }
.Ltmp0:
0x8d: {  	_ = 	snop;
	(pc) =	sbr.rel @p0 .LBB2_2-.Ltmp0, $4  }
0x8e: {  	_ = 	snop  }
0x8f: {  	[hbm4b:s4+s3] =	stream.linear.scatter [tilespmem:s24], [sflag:$0x4], $0x28, $0x38;
	[tilespmem:$0xC900] =	vst v63  }
0x90: {  	s31 =	sadd.s32 $0x50, s31;
	s30 =	sadd.s32 $0x500, s30  }
0x91: {  	[hbm4b:s0+s3] =	stream.linear.scatter [tilespmem:s25], [sflag:$0x4], $0x28, $0x38;
	[tilespmem:$0xC900] =	vst v63  }
0x92: {  	_ =	swait.ge [sflag:s26], $0x1400  }
0x93: {  	[sflag:s26] =	ssyncset.done $0x0  }
0x94: {  	[sflag:s26] =	ssyncadd.s32 $0xFFFFEC00  }
0x95: {  	_ =	swait.ge [sflag:s26], $0x28  }
0x96: {  	[sflag:s26] =	ssyncset.done $0x0  }
0x97: {  	[sflag:s26] =	ssyncadd.s32 $0xFFFFFFD8  }
0x98: {  	_ =	swait.ge [sflag:s26], $0x28  }
0x99: {  	[sflag:s26] =	ssyncset.done $0x0  }
0x9a: {  	[sflag:s26] =	ssyncadd.s32 $0xFFFFFFD8  }
0x9b: {  	_ =	swait.ge [sflag:s26], $0x28  }
0x9c: {  	[sflag:s26] =	ssyncset.done $0x0  }
0x9d: {  	[sflag:s26] =	ssyncadd.s32 $0xFFFFFFD8  }
0x9e: {  	_ =	swait.ge [sflag:s28], $0x1400  }
0x9f: {  	[sflag:s28] =	ssyncset.done $0x0  }
0xa0: {  	[sflag:s28] =	ssyncadd.s32 $0xFFFFEC00  }
0xa1: {  	_ =	swait.ge [sflag:s28], $0x28  }
0xa2: {  	[sflag:s28] =	ssyncset.done $0x0  }
0xa3: {  	s29 =	sadd.s32 $0x1, s29;
	[sflag:s28] =	ssyncadd.s32 $0xFFFFFFD8  }
0xa4: {  	p0 =	sne.s32 s29, s8;
	_ =	swait.ge [sflag:s28], $0x28  }
.Ltmp1:
0xa5: {  	[sflag:s28] =	ssyncset.done $0x0;
	(pc) =	sbr.rel @p0 .LBB2_1-.Ltmp1, $4  }
0xa6: {  	[sflag:s28] =	ssyncadd.s32 $0xFFFFFFD8  }
0xa7: {  	_ =	swait.ge [sflag:s28], $0x28  }
0xa8: {  	[sflag:s28] =	ssyncset.done $0x0  }
0xa9: {  	[sflag:s28] =	ssyncadd.s32 $0xFFFFFFD8  }
0xaa: {  	_ =	sfence.sel $0x180000  }
0xab: {  	[bflag:$0x0] =	sbarrier.arrive $0xFFFF  }
0xac: {  	_ =	strace $0x90000047  }
0xad: {  	s0 =	stileid.u32;
	[bflag:$0x2] =	sbarrier.arrive $0xFFFF  }
0xae: {  	p0 =	sne.s32 s0, $0x0;
	s0 =	rddreg [dreg:$0x2]  }
0xaf: {  	s0 =	sadd.s32 @!p0 $0x100000, s0  }
0xb0: {  	[sflag:s0] =	ssyncadd.tile.s32 @!p0 $0x1;
	_ =	shalt  }
.Lfunc_end2:
_tile_overlayer_lowered:
.L_overlay_start_2:
0xb1: {  	(tag) =	ssettag $0x2  }
0xb2: {  	s0 =	rddreg [dreg:$0x0];
	s2 =	stileid.u32  }
0xb3: {  	s1 =	rddreg [dreg:$0x1];
	p0 =	sne.s32 s2, $0x0  }
0xb4: {  	s3 =	rddreg [dreg:$0x2];
	[bflag:$0x3] =	sbarrier.arrive $0xFFFF;
	s2 =	simm.s32 @!p0 $0x1C05  }
0xb5: {  	[timem:s3], [sflag:s2] =	dma.local @!p0 [hbm:s0], s1  }
0xb6: {  	s0 =	simm.s32 @!p0 $0x5  }
0xb7: {  	_ =	swait.ge @!p0 [sflag:s0], s1  }
0xb8: {  	s1 =	ssub.s32 @!p0 $0x0, s1;
	[sflag:s0] =	ssyncset.done @!p0 $0x0  }
0xb9: {  	[sflag:s0] =	ssyncadd.s32 @!p0 s1  }
0xba: {  	[bflag:$0x3] =	sbarrier.arrive $0xFFFF  }
0xbb: {  	_ =	shalt  }

</sc_bundles>
